<compile_context>
chip_gen: v7x
topology: tpu7x:2x2x1
jax: 0.10.2.dev20260603
libtpu: 0.0.44.dev20260713+nightly
codegen_flags: <defaults>
</compile_context>

<pallas_src>
import jax
import jax.numpy as jnp
from jax import lax
from jax.experimental import pallas as pl
from jax.experimental.pallas import tpu as pltpu
from jax.experimental.pallas import tpu_sc as plsc

_B = 16384
_D = 64
_DP = 128
_V = 1000
_VP = 1024
_NC = 2
_NS = 16
_NW = _NC * _NS
_BPW = _B // _NW
_NCHUNK = 8
_CH = _BPW // _NCHUNK
_VS = _VP // _NS


def _emb_body(t_hbm, w_hbm, out_hbm, idx_v, rows_v, w_sh, gsem, wsem):
    cid = lax.axis_index("c")
    sid = lax.axis_index("s")
    wid = sid * _NC + cid
    base = wid * _BPW
    pltpu.sync_copy(t_hbm.at[pl.ds(base, _BPW)], idx_v)
    pltpu.sync_copy(
        w_hbm.at[pl.ds(sid * _VS, _VS)], w_sh.at[pl.ds(sid * _VS, _VS)]
    )
    plsc.subcore_barrier()
    gathers = [
        pltpu.async_copy(
            w_sh.at[idx_v.at[pl.ds(c * _CH, _CH)]],
            rows_v.at[pl.ds(c * _CH, _CH)],
            gsem.at[c],
        )
        for c in range(_NCHUNK)
    ]
    writes = []
    for c in range(_NCHUNK):
        gathers[c].wait()
        writes.append(
            pltpu.async_copy(
                rows_v.at[pl.ds(c * _CH, _CH)],
                out_hbm.at[pl.ds(base + c * _CH, _CH)],
                wsem.at[c],
            )
        )
    for w in writes:
        w.wait()


@jax.jit
def kernel(t, weight):
    w128 = jnp.pad(weight, ((0, _VP - _V), (0, _DP - _D)))
    mesh = plsc.VectorSubcoreMesh(core_axis_name="c", subcore_axis_name="s")
    f = pl.kernel(
        _emb_body,
        out_type=jax.ShapeDtypeStruct((_B, _DP), jnp.float32),
        mesh=mesh,
        scratch_types=[
            pltpu.VMEM((_BPW,), jnp.int32),
            pltpu.VMEM((_BPW, _DP), jnp.float32),
            pltpu.VMEM_SHARED((_VP, _DP), jnp.float32),
            pltpu.SemaphoreType.DMA((_NCHUNK,)),
            pltpu.SemaphoreType.DMA((_NCHUNK,)),
        ],
    )
    return f(t, w128)[:, :_D]

# --- scband reference (transcript-rebuilt; emitter-appended) ---
"""Pipeline reference for scband-learnable-time-embedding-89970974916744 (READ-ONLY COPY).

The authoritative reference and input builder live on the scoring server;
editing this copy changes nothing except your own understanding.
"""

import jax, jax.numpy as jnp
import numpy as np


def setup_inputs(seed: int = 0) -> dict:
    key = jax.random.key(seed)
    k1, k2 = jax.random.split(key)
    t = jax.random.randint(k1, (16384,), 0, 1000, dtype=jnp.int32)
    # learned embedding table: nn.Embedding(max_period=1000, dim=64), init normal(0, 0.02)
    weight = jax.random.normal(k2, (1000, 64), dtype=jnp.float32) * 0.02
    return {"t": t, "weight": weight}


def reference(t, weight):
    # nn.Embedding forward: row gather from the table
    return jnp.take(weight, t, axis=0)

if __name__ == "__main__":
    import jax
    _d = setup_inputs()
    print(jax.jit(kernel)(*tuple(_d.values())))

</pallas_src>

<mosaic_0001>
#map = affine_map<(d0, d1) -> (0)>
#map1 = affine_map<(d0, d1) -> (0, 0)>
module attributes {stable_mosaic.version = 14 : i64} {
  func.func @_emb_body(%arg0: i32, %arg1: i32, %arg2: memref<16384xi32, #tpu.memory_space<hbm>>, %arg3: memref<1024x128xf32, #tpu.memory_space<hbm>>, %arg4: memref<16384x128xf32, #tpu.memory_space<hbm>>, %arg5: memref<512xi32, #tpu.memory_space<vmem>>, %arg6: memref<512x128xf32, #tpu.memory_space<vmem>>, %arg7: memref<1024x128xf32, #tpu.memory_space<vmem_shared>>, %arg8: memref<8x!tpu.dma_semaphore, #tpu.memory_space<semaphore_mem>>, %arg9: memref<8x!tpu.dma_semaphore, #tpu.memory_space<semaphore_mem>>) attributes {dimension_semantics = [#tpu.dimension_semantics<core_parallel>, #tpu.dimension_semantics<subcore_parallel>], iteration_bounds = array<i64: 2, 16>, scalar_prefetch = 0 : i64, scratch_operands = 5 : i64, tpu.core_type = #tpu.core_type<sc_vector_subcore>, window_params = [{transform_indices = #map}, {transform_indices = #map1}, {transform_indices = #map1}]} {
    %mul3A = arith.constant 2 : i32
    %mul3A_0 = arith.muli %arg1, %mul3A : i32
    %add3A = arith.addi %mul3A_0, %arg0 : i32
    %mul3A_1 = arith.constant 512 : i32
    %mul3A_2 = arith.muli %add3A, %mul3A_1 : i32
    "tpu.region"() ({
      %run_scoped3A = tpu.sem_alloc : memref<!tpu.dma_semaphore, #tpu.memory_space<semaphore_mem>>
      %dma_start3A_405 = tpu.memref_slice %arg2[%mul3A_2] : memref<16384xi32, #tpu.memory_space<hbm>> -> memref<512xi32, #tpu.memory_space<hbm>>
      %dma_start3A_406 = tpu.memref_slice %arg2[%mul3A_2] : memref<16384xi32, #tpu.memory_space<hbm>> -> memref<512xi32, #tpu.memory_space<hbm>>
      tpu.enqueue_dma source(%dma_start3A_406 : memref<512xi32, #tpu.memory_space<hbm>>) target(%arg5 : memref<512xi32, #tpu.memory_space<vmem>>) target_semaphore(%run_scoped3A : memref<!tpu.dma_semaphore, #tpu.memory_space<semaphore_mem>>)
      %dma_wait3A_407 = tpu.memref_slice %arg2[%mul3A_2] : memref<16384xi32, #tpu.memory_space<hbm>> -> memref<512xi32, #tpu.memory_space<hbm>>
      %dma_wait3A_408 = tpu.memref_slice %arg2[%mul3A_2] : memref<16384xi32, #tpu.memory_space<hbm>> -> memref<512xi32, #tpu.memory_space<hbm>>
      tpu.wait_dma2 semaphore(%run_scoped3A : memref<!tpu.dma_semaphore, #tpu.memory_space<semaphore_mem>>) src(%dma_wait3A_408 : memref<512xi32, #tpu.memory_space<hbm>>) dst(%arg5 : memref<512xi32, #tpu.memory_space<vmem>>)
      tpu.yield
    }) : () -> ()
    %mul3A_3 = arith.constant 64 : i32
    %mul3A_4 = arith.muli %arg1, %mul3A_3 : i32
    %mul3A_5 = arith.constant 64 : i32
    %mul3A_6 = arith.muli %arg1, %mul3A_5 : i32
    "tpu.region"() ({
      %run_scoped3A = tpu.sem_alloc : memref<!tpu.dma_semaphore, #tpu.memory_space<semaphore_mem>>
      %dma_start3A_405 = arith.constant 0 : i32
      %dma_start3A_406 = tpu.memref_slice %arg7[%mul3A_6, %dma_start3A_405] : memref<1024x128xf32, #tpu.memory_space<vmem_shared>> -> memref<64x128xf32, #tpu.memory_space<vmem_shared>>
      %dma_start3A_407 = arith.constant 0 : i32
      %dma_start3A_408 = tpu.memref_slice %arg3[%mul3A_4, %dma_start3A_407] : memref<1024x128xf32, #tpu.memory_space<hbm>> -> memref<64x128xf32, #tpu.memory_space<hbm>>
      tpu.enqueue_dma source(%dma_start3A_408 : memref<64x128xf32, #tpu.memory_space<hbm>>) target(%dma_start3A_406 : memref<64x128xf32, #tpu.memory_space<vmem_shared>>) target_semaphore(%run_scoped3A : memref<!tpu.dma_semaphore, #tpu.memory_space<semaphore_mem>>)
      %dma_wait3A_409 = arith.constant 0 : i32
      %dma_wait3A_410 = tpu.memref_slice %arg7[%mul3A_6, %dma_wait3A_409] : memref<1024x128xf32, #tpu.memory_space<vmem_shared>> -> memref<64x128xf32, #tpu.memory_space<vmem_shared>>
      %dma_wait3A_411 = arith.constant 0 : i32
      %dma_wait3A_412 = tpu.memref_slice %arg3[%mul3A_4, %dma_wait3A_411] : memref<1024x128xf32, #tpu.memory_space<hbm>> -> memref<64x128xf32, #tpu.memory_space<hbm>>
      tpu.wait_dma2 semaphore(%run_scoped3A : memref<!tpu.dma_semaphore, #tpu.memory_space<semaphore_mem>>) src(%dma_wait3A_412 : memref<64x128xf32, #tpu.memory_space<hbm>>) dst(%dma_wait3A_410 : memref<64x128xf32, #tpu.memory_space<vmem_shared>>)
      tpu.yield
    }) : () -> ()
    %barrier3A = arith.constant 0 : index
    tpu.barrier barrier_id(%barrier3A)
    %dma_start3A = arith.constant 0 : i32
    %dma_start3A_7 = arith.constant 0 : i32
    %dma_start3A_8 = arith.constant 0 : i32
    %dma_start3A_9 = tpu.memref_slice %arg6[%dma_start3A_7, %dma_start3A_8] : memref<512x128xf32, #tpu.memory_space<vmem>> -> memref<64x128xf32, #tpu.memory_space<vmem>>
    %dma_start3A_10 = arith.constant 0 : i32
    %dma_start3A_11 = tpu.memref_slice %arg5[%dma_start3A_10] : memref<512xi32, #tpu.memory_space<vmem>> -> memref<64xi32, #tpu.memory_space<vmem>>
    %dma_start3A_12 = arith.constant 0 : i32
    %dma_start3A_13 = arith.constant 0 : i32
    %dma_start3A_14 = tpu.memref_slice %arg7[%dma_start3A_12, %dma_start3A_13] : memref<1024x128xf32, #tpu.memory_space<vmem_shared>> -> memref<1024x128xf32, #tpu.memory_space<vmem_shared>>
    %dma_start3A_15 = tpu.memref_slice %arg8[%dma_start3A] : memref<8x!tpu.dma_semaphore, #tpu.memory_space<semaphore_mem>> -> memref<1x!tpu.dma_semaphore, #tpu.memory_space<semaphore_mem>>
    %dma_start3A_16 = tpu.memref_squeeze %dma_start3A_15 : memref<1x!tpu.dma_semaphore, #tpu.memory_space<semaphore_mem>> -> memref<!tpu.dma_semaphore, #tpu.memory_space<semaphore_mem>>
    tpu.enqueue_indirect_dma source(%dma_start3A_14 : memref<1024x128xf32, #tpu.memory_space<vmem_shared>>) target(%dma_start3A_9 : memref<64x128xf32, #tpu.memory_space<vmem>>) offsets(%dma_start3A_11 : memref<64xi32, #tpu.memory_space<vmem>>) semaphore(%dma_start3A_16 : memref<!tpu.dma_semaphore, #tpu.memory_space<semaphore_mem>>)
    %dma_start3A_17 = arith.constant 1 : i32
    %dma_start3A_18 = arith.constant 64 : i32
    %dma_start3A_19 = arith.constant 0 : i32
    %dma_start3A_20 = tpu.memref_slice %arg6[%dma_start3A_18, %dma_start3A_19] : memref<512x128xf32, #tpu.memory_space<vmem>> -> memref<64x128xf32, #tpu.memory_space<vmem>>
    %dma_start3A_21 = arith.constant 64 : i32
    %dma_start3A_22 = tpu.memref_slice %arg5[%dma_start3A_21] : memref<512xi32, #tpu.memory_space<vmem>> -> memref<64xi32, #tpu.memory_space<vmem>>
    %dma_start3A_23 = arith.constant 0 : i32
    %dma_start3A_24 = arith.constant 0 : i32
    %dma_start3A_25 = tpu.memref_slice %arg7[%dma_start3A_23, %dma_start3A_24] : memref<1024x128xf32, #tpu.memory_space<vmem_shared>> -> memref<1024x128xf32, #tpu.memory_space<vmem_shared>>
    %dma_start3A_26 = tpu.memref_slice %arg8[%dma_start3A_17] : memref<8x!tpu.dma_semaphore, #tpu.memory_space<semaphore_mem>> -> memref<1x!tpu.dma_semaphore, #tpu.memory_space<semaphore_mem>>
    %dma_start3A_27 = tpu.memref_squeeze %dma_start3A_26 : memref<1x!tpu.dma_semaphore, #tpu.memory_space<semaphore_mem>> -> memref<!tpu.dma_semaphore, #tpu.memory_space<semaphore_mem>>
    tpu.enqueue_indirect_dma source(%dma_start3A_25 : memref<1024x128xf32, #tpu.memory_space<vmem_shared>>) target(%dma_start3A_20 : memref<64x128xf32, #tpu.memory_space<vmem>>) offsets(%dma_start3A_22 : memref<64xi32, #tpu.memory_space<vmem>>) semaphore(%dma_start3A_27 : memref<!tpu.dma_semaphore, #tpu.memory_space<semaphore_mem>>)
    %dma_start3A_28 = arith.constant 2 : i32
    %dma_start3A_29 = arith.constant 128 : i32
    %dma_start3A_30 = arith.constant 0 : i32
    %dma_start3A_31 = tpu.memref_slice %arg6[%dma_start3A_29, %dma_start3A_30] : memref<512x128xf32, #tpu.memory_space<vmem>> -> memref<64x128xf32, #tpu.memory_space<vmem>>
    %dma_start3A_32 = arith.constant 128 : i32
    %dma_start3A_33 = tpu.memref_slice %arg5[%dma_start3A_32] : memref<512xi32, #tpu.memory_space<vmem>> -> memref<64xi32, #tpu.memory_space<vmem>>
    %dma_start3A_34 = arith.constant 0 : i32
    %dma_start3A_35 = arith.constant 0 : i32
    %dma_start3A_36 = tpu.memref_slice %arg7[%dma_start3A_34, %dma_start3A_35] : memref<1024x128xf32, #tpu.memory_space<vmem_shared>> -> memref<1024x128xf32, #tpu.memory_space<vmem_shared>>
    %dma_start3A_37 = tpu.memref_slice %arg8[%dma_start3A_28] : memref<8x!tpu.dma_semaphore, #tpu.memory_space<semaphore_mem>> -> memref<1x!tpu.dma_semaphore, #tpu.memory_space<semaphore_mem>>
    %dma_start3A_38 = tpu.memref_squeeze %dma_start3A_37 : memref<1x!tpu.dma_semaphore, #tpu.memory_space<semaphore_mem>> -> memref<!tpu.dma_semaphore, #tpu.memory_space<semaphore_mem>>
    tpu.enqueue_indirect_dma source(%dma_start3A_36 : memref<1024x128xf32, #tpu.memory_space<vmem_shared>>) target(%dma_start3A_31 : memref<64x128xf32, #tpu.memory_space<vmem>>) offsets(%dma_start3A_33 : memref<64xi32, #tpu.memory_space<vmem>>) semaphore(%dma_start3A_38 : memref<!tpu.dma_semaphore, #tpu.memory_space<semaphore_mem>>)
    %dma_start3A_39 = arith.constant 3 : i32
    %dma_start3A_40 = arith.constant 192 : i32
    %dma_start3A_41 = arith.constant 0 : i32
    %dma_start3A_42 = tpu.memref_slice %arg6[%dma_start3A_40, %dma_start3A_41] : memref<512x128xf32, #tpu.memory_space<vmem>> -> memref<64x128xf32, #tpu.memory_space<vmem>>
    %dma_start3A_43 = arith.constant 192 : i32
    %dma_start3A_44 = tpu.memref_slice %arg5[%dma_start3A_43] : memref<512xi32, #tpu.memory_space<vmem>> -> memref<64xi32, #tpu.memory_space<vmem>>
    %dma_start3A_45 = arith.constant 0 : i32
    %dma_start3A_46 = arith.constant 0 : i32
    %dma_start3A_47 = tpu.memref_slice %arg7[%dma_start3A_45, %dma_start3A_46] : memref<1024x128xf32, #tpu.memory_space<vmem_shared>> -> memref<1024x128xf32, #tpu.memory_space<vmem_shared>>
    %dma_start3A_48 = tpu.memref_slice %arg8[%dma_start3A_39] : memref<8x!tpu.dma_semaphore, #tpu.memory_space<semaphore_mem>> -> memref<1x!tpu.dma_semaphore, #tpu.memory_space<semaphore_mem>>
    %dma_start3A_49 = tpu.memref_squeeze %dma_start3A_48 : memref<1x!tpu.dma_semaphore, #tpu.memory_space<semaphore_mem>> -> memref<!tpu.dma_semaphore, #tpu.memory_space<semaphore_mem>>
    tpu.enqueue_indirect_dma source(%dma_start3A_47 : memref<1024x128xf32, #tpu.memory_space<vmem_shared>>) target(%dma_start3A_42 : memref<64x128xf32, #tpu.memory_space<vmem>>) offsets(%dma_start3A_44 : memref<64xi32, #tpu.memory_space<vmem>>) semaphore(%dma_start3A_49 : memref<!tpu.dma_semaphore, #tpu.memory_space<semaphore_mem>>)
    %dma_start3A_50 = arith.constant 4 : i32
    %dma_start3A_51 = arith.constant 256 : i32
    %dma_start3A_52 = arith.constant 0 : i32
    %dma_start3A_53 = tpu.memref_slice %arg6[%dma_start3A_51, %dma_start3A_52] : memref<512x128xf32, #tpu.memory_space<vmem>> -> memref<64x128xf32, #tpu.memory_space<vmem>>
    %dma_start3A_54 = arith.constant 256 : i32
    %dma_start3A_55 = tpu.memref_slice %arg5[%dma_start3A_54] : memref<512xi32, #tpu.memory_space<vmem>> -> memref<64xi32, #tpu.memory_space<vmem>>
    %dma_start3A_56 = arith.constant 0 : i32
    %dma_start3A_57 = arith.constant 0 : i32
    %dma_start3A_58 = tpu.memref_slice %arg7[%dma_start3A_56, %dma_start3A_57] : memref<1024x128xf32, #tpu.memory_space<vmem_shared>> -> memref<1024x128xf32, #tpu.memory_space<vmem_shared>>
    %dma_start3A_59 = tpu.memref_slice %arg8[%dma_start3A_50] : memref<8x!tpu.dma_semaphore, #tpu.memory_space<semaphore_mem>> -> memref<1x!tpu.dma_semaphore, #tpu.memory_space<semaphore_mem>>
    %dma_start3A_60 = tpu.memref_squeeze %dma_start3A_59 : memref<1x!tpu.dma_semaphore, #tpu.memory_space<semaphore_mem>> -> memref<!tpu.dma_semaphore, #tpu.memory_space<semaphore_mem>>
    tpu.enqueue_indirect_dma source(%dma_start3A_58 : memref<1024x128xf32, #tpu.memory_space<vmem_shared>>) target(%dma_start3A_53 : memref<64x128xf32, #tpu.memory_space<vmem>>) offsets(%dma_start3A_55 : memref<64xi32, #tpu.memory_space<vmem>>) semaphore(%dma_start3A_60 : memref<!tpu.dma_semaphore, #tpu.memory_space<semaphore_mem>>)
    %dma_start3A_61 = arith.constant 5 : i32
    %dma_start3A_62 = arith.constant 320 : i32
    %dma_start3A_63 = arith.constant 0 : i32
    %dma_start3A_64 = tpu.memref_slice %arg6[%dma_start3A_62, %dma_start3A_63] : memref<512x128xf32, #tpu.memory_space<vmem>> -> memref<64x128xf32, #tpu.memory_space<vmem>>
    %dma_start3A_65 = arith.constant 320 : i32
    %dma_start3A_66 = tpu.memref_slice %arg5[%dma_start3A_65] : memref<512xi32, #tpu.memory_space<vmem>> -> memref<64xi32, #tpu.memory_space<vmem>>
    %dma_start3A_67 = arith.constant 0 : i32
    %dma_start3A_68 = arith.constant 0 : i32
    %dma_start3A_69 = tpu.memref_slice %arg7[%dma_start3A_67, %dma_start3A_68] : memref<1024x128xf32, #tpu.memory_space<vmem_shared>> -> memref<1024x128xf32, #tpu.memory_space<vmem_shared>>
    %dma_start3A_70 = tpu.memref_slice %arg8[%dma_start3A_61] : memref<8x!tpu.dma_semaphore, #tpu.memory_space<semaphore_mem>> -> memref<1x!tpu.dma_semaphore, #tpu.memory_space<semaphore_mem>>
    %dma_start3A_71 = tpu.memref_squeeze %dma_start3A_70 : memref<1x!tpu.dma_semaphore, #tpu.memory_space<semaphore_mem>> -> memref<!tpu.dma_semaphore, #tpu.memory_space<semaphore_mem>>
    tpu.enqueue_indirect_dma source(%dma_start3A_69 : memref<1024x128xf32, #tpu.memory_space<vmem_shared>>) target(%dma_start3A_64 : memref<64x128xf32, #tpu.memory_space<vmem>>) offsets(%dma_start3A_66 : memref<64xi32, #tpu.memory_space<vmem>>) semaphore(%dma_start3A_71 : memref<!tpu.dma_semaphore, #tpu.memory_space<semaphore_mem>>)
    %dma_start3A_72 = arith.constant 6 : i32
    %dma_start3A_73 = arith.constant 384 : i32
    %dma_start3A_74 = arith.constant 0 : i32
    %dma_start3A_75 = tpu.memref_slice %arg6[%dma_start3A_73, %dma_start3A_74] : memref<512x128xf32, #tpu.memory_space<vmem>> -> memref<64x128xf32, #tpu.memory_space<vmem>>
    %dma_start3A_76 = arith.constant 384 : i32
    %dma_start3A_77 = tpu.memref_slice %arg5[%dma_start3A_76] : memref<512xi32, #tpu.memory_space<vmem>> -> memref<64xi32, #tpu.memory_space<vmem>>
    %dma_start3A_78 = arith.constant 0 : i32
    %dma_start3A_79 = arith.constant 0 : i32
    %dma_start3A_80 = tpu.memref_slice %arg7[%dma_start3A_78, %dma_start3A_79] : memref<1024x128xf32, #tpu.memory_space<vmem_shared>> -> memref<1024x128xf32, #tpu.memory_space<vmem_shared>>
    %dma_start3A_81 = tpu.memref_slice %arg8[%dma_start3A_72] : memref<8x!tpu.dma_semaphore, #tpu.memory_space<semaphore_mem>> -> memref<1x!tpu.dma_semaphore, #tpu.memory_space<semaphore_mem>>
    %dma_start3A_82 = tpu.memref_squeeze %dma_start3A_81 : memref<1x!tpu.dma_semaphore, #tpu.memory_space<semaphore_mem>> -> memref<!tpu.dma_semaphore, #tpu.memory_space<semaphore_mem>>
    tpu.enqueue_indirect_dma source(%dma_start3A_80 : memref<1024x128xf32, #tpu.memory_space<vmem_shared>>) target(%dma_start3A_75 : memref<64x128xf32, #tpu.memory_space<vmem>>) offsets(%dma_start3A_77 : memref<64xi32, #tpu.memory_space<vmem>>) semaphore(%dma_start3A_82 : memref<!tpu.dma_semaphore, #tpu.memory_space<semaphore_mem>>)
    %dma_start3A_83 = arith.constant 7 : i32
    %dma_start3A_84 = arith.constant 448 : i32
    %dma_start3A_85 = arith.constant 0 : i32
    %dma_start3A_86 = tpu.memref_slice %arg6[%dma_start3A_84, %dma_start3A_85] : memref<512x128xf32, #tpu.memory_space<vmem>> -> memref<64x128xf32, #tpu.memory_space<vmem>>
    %dma_start3A_87 = arith.constant 448 : i32
    %dma_start3A_88 = tpu.memref_slice %arg5[%dma_start3A_87] : memref<512xi32, #tpu.memory_space<vmem>> -> memref<64xi32, #tpu.memory_space<vmem>>
    %dma_start3A_89 = arith.constant 0 : i32
    %dma_start3A_90 = arith.constant 0 : i32
    %dma_start3A_91 = tpu.memref_slice %arg7[%dma_start3A_89, %dma_start3A_90] : memref<1024x128xf32, #tpu.memory_space<vmem_shared>> -> memref<1024x128xf32, #tpu.memory_space<vmem_shared>>
    %dma_start3A_92 = tpu.memref_slice %arg8[%dma_start3A_83] : memref<8x!tpu.dma_semaphore, #tpu.memory_space<semaphore_mem>> -> memref<1x!tpu.dma_semaphore, #tpu.memory_space<semaphore_mem>>
    %dma_start3A_93 = tpu.memref_squeeze %dma_start3A_92 : memref<1x!tpu.dma_semaphore, #tpu.memory_space<semaphore_mem>> -> memref<!tpu.dma_semaphore, #tpu.memory_space<semaphore_mem>>
    tpu.enqueue_indirect_dma source(%dma_start3A_91 : memref<1024x128xf32, #tpu.memory_space<vmem_shared>>) target(%dma_start3A_86 : memref<64x128xf32, #tpu.memory_space<vmem>>) offsets(%dma_start3A_88 : memref<64xi32, #tpu.memory_space<vmem>>) semaphore(%dma_start3A_93 : memref<!tpu.dma_semaphore, #tpu.memory_space<semaphore_mem>>)
    %dma_wait3A = arith.constant 0 : i32
    %dma_wait3A_94 = arith.constant 0 : i32
    %dma_wait3A_95 = arith.constant 0 : i32
    %dma_wait3A_96 = tpu.memref_slice %arg6[%dma_wait3A_94, %dma_wait3A_95] : memref<512x128xf32, #tpu.memory_space<vmem>> -> memref<64x128xf32, #tpu.memory_space<vmem>>
    %dma_wait3A_97 = arith.constant 0 : i32
    %dma_wait3A_98 = tpu.memref_slice %arg5[%dma_wait3A_97] : memref<512xi32, #tpu.memory_space<vmem>> -> memref<64xi32, #tpu.memory_space<vmem>>
    %dma_wait3A_99 = arith.constant 0 : i32
    %dma_wait3A_100 = arith.constant 0 : i32
    %dma_wait3A_101 = tpu.memref_slice %arg7[%dma_wait3A_99, %dma_wait3A_100] : memref<1024x128xf32, #tpu.memory_space<vmem_shared>> -> memref<1024x128xf32, #tpu.memory_space<vmem_shared>>
    %dma_wait3A_102 = tpu.memref_slice %arg8[%dma_wait3A] : memref<8x!tpu.dma_semaphore, #tpu.memory_space<semaphore_mem>> -> memref<1x!tpu.dma_semaphore, #tpu.memory_space<semaphore_mem>>
    %dma_wait3A_103 = tpu.memref_squeeze %dma_wait3A_102 : memref<1x!tpu.dma_semaphore, #tpu.memory_space<semaphore_mem>> -> memref<!tpu.dma_semaphore, #tpu.memory_space<semaphore_mem>>
    tpu.wait_indirect_dma semaphore(%dma_wait3A_103 : memref<!tpu.dma_semaphore, #tpu.memory_space<semaphore_mem>>) src(%dma_wait3A_101 : memref<1024x128xf32, #tpu.memory_space<vmem_shared>>) dst(%dma_wait3A_96 : memref<64x128xf32, #tpu.memory_space<vmem>>)
    %add3A_104 = arith.constant 0 : i32
    %add3A_105 = arith.addi %mul3A_2, %add3A_104 : i32
    %dma_start3A_106 = arith.constant 0 : i32
    %dma_start3A_107 = arith.constant 0 : i32
    %dma_start3A_108 = arith.constant 0 : i32
    %dma_start3A_109 = tpu.memref_slice %arg6[%dma_start3A_107, %dma_start3A_108] : memref<512x128xf32, #tpu.memory_space<vmem>> -> memref<64x128xf32, #tpu.memory_space<vmem>>
    %dma_start3A_110 = arith.constant 0 : i32
    %dma_start3A_111 = tpu.memref_slice %arg4[%add3A_105, %dma_start3A_110] : memref<16384x128xf32, #tpu.memory_space<hbm>> -> memref<64x128xf32, #tpu.memory_space<hbm>>
    %dma_start3A_112 = tpu.memref_slice %arg9[%dma_start3A_106] : memref<8x!tpu.dma_semaphore, #tpu.memory_space<semaphore_mem>> -> memref<1x!tpu.dma_semaphore, #tpu.memory_space<semaphore_mem>>
    %dma_start3A_113 = tpu.memref_squeeze %dma_start3A_112 : memref<1x!tpu.dma_semaphore, #tpu.memory_space<semaphore_mem>> -> memref<!tpu.dma_semaphore, #tpu.memory_space<semaphore_mem>>
    %dma_start3A_114 = arith.constant 0 : i32
    %dma_start3A_115 = tpu.memref_slice %arg4[%add3A_105, %dma_start3A_114] : memref<16384x128xf32, #tpu.memory_space<hbm>> -> memref<64x128xf32, #tpu.memory_space<hbm>>
    %dma_start3A_116 = arith.constant 0 : i32
    %dma_start3A_117 = arith.constant 0 : i32
    %dma_start3A_118 = tpu.memref_slice %arg6[%dma_start3A_116, %dma_start3A_117] : memref<512x128xf32, #tpu.memory_space<vmem>> -> memref<64x128xf32, #tpu.memory_space<vmem>>
    tpu.enqueue_dma source(%dma_start3A_118 : memref<64x128xf32, #tpu.memory_space<vmem>>) target(%dma_start3A_115 : memref<64x128xf32, #tpu.memory_space<hbm>>) target_semaphore(%dma_start3A_113 : memref<!tpu.dma_semaphore, #tpu.memory_space<semaphore_mem>>)
    %dma_wait3A_119 = arith.constant 1 : i32
    %dma_wait3A_120 = arith.constant 64 : i32
    %dma_wait3A_121 = arith.constant 0 : i32
    %dma_wait3A_122 = tpu.memref_slice %arg6[%dma_wait3A_120, %dma_wait3A_121] : memref<512x128xf32, #tpu.memory_space<vmem>> -> memref<64x128xf32, #tpu.memory_space<vmem>>
    %dma_wait3A_123 = arith.constant 64 : i32
    %dma_wait3A_124 = tpu.memref_slice %arg5[%dma_wait3A_123] : memref<512xi32, #tpu.memory_space<vmem>> -> memref<64xi32, #tpu.memory_space<vmem>>
    %dma_wait3A_125 = arith.constant 0 : i32
    %dma_wait3A_126 = arith.constant 0 : i32
    %dma_wait3A_127 = tpu.memref_slice %arg7[%dma_wait3A_125, %dma_wait3A_126] : memref<1024x128xf32, #tpu.memory_space<vmem_shared>> -> memref<1024x128xf32, #tpu.memory_space<vmem_shared>>
    %dma_wait3A_128 = tpu.memref_slice %arg8[%dma_wait3A_119] : memref<8x!tpu.dma_semaphore, #tpu.memory_space<semaphore_mem>> -> memref<1x!tpu.dma_semaphore, #tpu.memory_space<semaphore_mem>>
    %dma_wait3A_129 = tpu.memref_squeeze %dma_wait3A_128 : memref<1x!tpu.dma_semaphore, #tpu.memory_space<semaphore_mem>> -> memref<!tpu.dma_semaphore, #tpu.memory_space<semaphore_mem>>
    tpu.wait_indirect_dma semaphore(%dma_wait3A_129 : memref<!tpu.dma_semaphore, #tpu.memory_space<semaphore_mem>>) src(%dma_wait3A_127 : memref<1024x128xf32, #tpu.memory_space<vmem_shared>>) dst(%dma_wait3A_122 : memref<64x128xf32, #tpu.memory_space<vmem>>)
    %add3A_130 = arith.constant 64 : i32
    %add3A_131 = arith.addi %mul3A_2, %add3A_130 : i32
    %dma_start3A_132 = arith.constant 1 : i32
    %dma_start3A_133 = arith.constant 64 : i32
    %dma_start3A_134 = arith.constant 0 : i32
    %dma_start3A_135 = tpu.memref_slice %arg6[%dma_start3A_133, %dma_start3A_134] : memref<512x128xf32, #tpu.memory_space<vmem>> -> memref<64x128xf32, #tpu.memory_space<vmem>>
    %dma_start3A_136 = arith.constant 0 : i32
    %dma_start3A_137 = tpu.memref_slice %arg4[%add3A_131, %dma_start3A_136] : memref<16384x128xf32, #tpu.memory_space<hbm>> -> memref<64x128xf32, #tpu.memory_space<hbm>>
    %dma_start3A_138 = tpu.memref_slice %arg9[%dma_start3A_132] : memref<8x!tpu.dma_semaphore, #tpu.memory_space<semaphore_mem>> -> memref<1x!tpu.dma_semaphore, #tpu.memory_space<semaphore_mem>>
    %dma_start3A_139 = tpu.memref_squeeze %dma_start3A_138 : memref<1x!tpu.dma_semaphore, #tpu.memory_space<semaphore_mem>> -> memref<!tpu.dma_semaphore, #tpu.memory_space<semaphore_mem>>
    %dma_start3A_140 = arith.constant 0 : i32
    %dma_start3A_141 = tpu.memref_slice %arg4[%add3A_131, %dma_start3A_140] : memref<16384x128xf32, #tpu.memory_space<hbm>> -> memref<64x128xf32, #tpu.memory_space<hbm>>
    %dma_start3A_142 = arith.constant 64 : i32
    %dma_start3A_143 = arith.constant 0 : i32
    %dma_start3A_144 = tpu.memref_slice %arg6[%dma_start3A_142, %dma_start3A_143] : memref<512x128xf32, #tpu.memory_space<vmem>> -> memref<64x128xf32, #tpu.memory_space<vmem>>
    tpu.enqueue_dma source(%dma_start3A_144 : memref<64x128xf32, #tpu.memory_space<vmem>>) target(%dma_start3A_141 : memref<64x128xf32, #tpu.memory_space<hbm>>) target_semaphore(%dma_start3A_139 : memref<!tpu.dma_semaphore, #tpu.memory_space<semaphore_mem>>)
    %dma_wait3A_145 = arith.constant 2 : i32
    %dma_wait3A_146 = arith.constant 128 : i32
    %dma_wait3A_147 = arith.constant 0 : i32
    %dma_wait3A_148 = tpu.memref_slice %arg6[%dma_wait3A_146, %dma_wait3A_147] : memref<512x128xf32, #tpu.memory_space<vmem>> -> memref<64x128xf32, #tpu.memory_space<vmem>>
    %dma_wait3A_149 = arith.constant 128 : i32
    %dma_wait3A_150 = tpu.memref_slice %arg5[%dma_wait3A_149] : memref<512xi32, #tpu.memory_space<vmem>> -> memref<64xi32, #tpu.memory_space<vmem>>
    %dma_wait3A_151 = arith.constant 0 : i32
    %dma_wait3A_152 = arith.constant 0 : i32
    %dma_wait3A_153 = tpu.memref_slice %arg7[%dma_wait3A_151, %dma_wait3A_152] : memref<1024x128xf32, #tpu.memory_space<vmem_shared>> -> memref<1024x128xf32, #tpu.memory_space<vmem_shared>>
    %dma_wait3A_154 = tpu.memref_slice %arg8[%dma_wait3A_145] : memref<8x!tpu.dma_semaphore, #tpu.memory_space<semaphore_mem>> -> memref<1x!tpu.dma_semaphore, #tpu.memory_space<semaphore_mem>>
    %dma_wait3A_155 = tpu.memref_squeeze %dma_wait3A_154 : memref<1x!tpu.dma_semaphore, #tpu.memory_space<semaphore_mem>> -> memref<!tpu.dma_semaphore, #tpu.memory_space<semaphore_mem>>
    tpu.wait_indirect_dma semaphore(%dma_wait3A_155 : memref<!tpu.dma_semaphore, #tpu.memory_space<semaphore_mem>>) src(%dma_wait3A_153 : memref<1024x128xf32, #tpu.memory_space<vmem_shared>>) dst(%dma_wait3A_148 : memref<64x128xf32, #tpu.memory_space<vmem>>)
    %add3A_156 = arith.constant 128 : i32
    %add3A_157 = arith.addi %mul3A_2, %add3A_156 : i32
    %dma_start3A_158 = arith.constant 2 : i32
    %dma_start3A_159 = arith.constant 128 : i32
    %dma_start3A_160 = arith.constant 0 : i32
    %dma_start3A_161 = tpu.memref_slice %arg6[%dma_start3A_159, %dma_start3A_160] : memref<512x128xf32, #tpu.memory_space<vmem>> -> memref<64x128xf32, #tpu.memory_space<vmem>>
    %dma_start3A_162 = arith.constant 0 : i32
    %dma_start3A_163 = tpu.memref_slice %arg4[%add3A_157, %dma_start3A_162] : memref<16384x128xf32, #tpu.memory_space<hbm>> -> memref<64x128xf32, #tpu.memory_space<hbm>>
    %dma_start3A_164 = tpu.memref_slice %arg9[%dma_start3A_158] : memref<8x!tpu.dma_semaphore, #tpu.memory_space<semaphore_mem>> -> memref<1x!tpu.dma_semaphore, #tpu.memory_space<semaphore_mem>>
    %dma_start3A_165 = tpu.memref_squeeze %dma_start3A_164 : memref<1x!tpu.dma_semaphore, #tpu.memory_space<semaphore_mem>> -> memref<!tpu.dma_semaphore, #tpu.memory_space<semaphore_mem>>
    %dma_start3A_166 = arith.constant 0 : i32
    %dma_start3A_167 = tpu.memref_slice %arg4[%add3A_157, %dma_start3A_166] : memref<16384x128xf32, #tpu.memory_space<hbm>> -> memref<64x128xf32, #tpu.memory_space<hbm>>
    %dma_start3A_168 = arith.constant 128 : i32
    %dma_start3A_169 = arith.constant 0 : i32
    %dma_start3A_170 = tpu.memref_slice %arg6[%dma_start3A_168, %dma_start3A_169] : memref<512x128xf32, #tpu.memory_space<vmem>> -> memref<64x128xf32, #tpu.memory_space<vmem>>
    tpu.enqueue_dma source(%dma_start3A_170 : memref<64x128xf32, #tpu.memory_space<vmem>>) target(%dma_start3A_167 : memref<64x128xf32, #tpu.memory_space<hbm>>) target_semaphore(%dma_start3A_165 : memref<!tpu.dma_semaphore, #tpu.memory_space<semaphore_mem>>)
    %dma_wait3A_171 = arith.constant 3 : i32
    %dma_wait3A_172 = arith.constant 192 : i32
    %dma_wait3A_173 = arith.constant 0 : i32
    %dma_wait3A_174 = tpu.memref_slice %arg6[%dma_wait3A_172, %dma_wait3A_173] : memref<512x128xf32, #tpu.memory_space<vmem>> -> memref<64x128xf32, #tpu.memory_space<vmem>>
    %dma_wait3A_175 = arith.constant 192 : i32
    %dma_wait3A_176 = tpu.memref_slice %arg5[%dma_wait3A_175] : memref<512xi32, #tpu.memory_space<vmem>> -> memref<64xi32, #tpu.memory_space<vmem>>
    %dma_wait3A_177 = arith.constant 0 : i32
    %dma_wait3A_178 = arith.constant 0 : i32
    %dma_wait3A_179 = tpu.memref_slice %arg7[%dma_wait3A_177, %dma_wait3A_178] : memref<1024x128xf32, #tpu.memory_space<vmem_shared>> -> memref<1024x128xf32, #tpu.memory_space<vmem_shared>>
    %dma_wait3A_180 = tpu.memref_slice %arg8[%dma_wait3A_171] : memref<8x!tpu.dma_semaphore, #tpu.memory_space<semaphore_mem>> -> memref<1x!tpu.dma_semaphore, #tpu.memory_space<semaphore_mem>>
    %dma_wait3A_181 = tpu.memref_squeeze %dma_wait3A_180 : memref<1x!tpu.dma_semaphore, #tpu.memory_space<semaphore_mem>> -> memref<!tpu.dma_semaphore, #tpu.memory_space<semaphore_mem>>
    tpu.wait_indirect_dma semaphore(%dma_wait3A_181 : memref<!tpu.dma_semaphore, #tpu.memory_space<semaphore_mem>>) src(%dma_wait3A_179 : memref<1024x128xf32, #tpu.memory_space<vmem_shared>>) dst(%dma_wait3A_174 : memref<64x128xf32, #tpu.memory_space<vmem>>)
    %add3A_182 = arith.constant 192 : i32
    %add3A_183 = arith.addi %mul3A_2, %add3A_182 : i32
    %dma_start3A_184 = arith.constant 3 : i32
    %dma_start3A_185 = arith.constant 192 : i32
    %dma_start3A_186 = arith.constant 0 : i32
    %dma_start3A_187 = tpu.memref_slice %arg6[%dma_start3A_185, %dma_start3A_186] : memref<512x128xf32, #tpu.memory_space<vmem>> -> memref<64x128xf32, #tpu.memory_space<vmem>>
    %dma_start3A_188 = arith.constant 0 : i32
    %dma_start3A_189 = tpu.memref_slice %arg4[%add3A_183, %dma_start3A_188] : memref<16384x128xf32, #tpu.memory_space<hbm>> -> memref<64x128xf32, #tpu.memory_space<hbm>>
    %dma_start3A_190 = tpu.memref_slice %arg9[%dma_start3A_184] : memref<8x!tpu.dma_semaphore, #tpu.memory_space<semaphore_mem>> -> memref<1x!tpu.dma_semaphore, #tpu.memory_space<semaphore_mem>>
    %dma_start3A_191 = tpu.memref_squeeze %dma_start3A_190 : memref<1x!tpu.dma_semaphore, #tpu.memory_space<semaphore_mem>> -> memref<!tpu.dma_semaphore, #tpu.memory_space<semaphore_mem>>
    %dma_start3A_192 = arith.constant 0 : i32
    %dma_start3A_193 = tpu.memref_slice %arg4[%add3A_183, %dma_start3A_192] : memref<16384x128xf32, #tpu.memory_space<hbm>> -> memref<64x128xf32, #tpu.memory_space<hbm>>
    %dma_start3A_194 = arith.constant 192 : i32
    %dma_start3A_195 = arith.constant 0 : i32
    %dma_start3A_196 = tpu.memref_slice %arg6[%dma_start3A_194, %dma_start3A_195] : memref<512x128xf32, #tpu.memory_space<vmem>> -> memref<64x128xf32, #tpu.memory_space<vmem>>
    tpu.enqueue_dma source(%dma_start3A_196 : memref<64x128xf32, #tpu.memory_space<vmem>>) target(%dma_start3A_193 : memref<64x128xf32, #tpu.memory_space<hbm>>) target_semaphore(%dma_start3A_191 : memref<!tpu.dma_semaphore, #tpu.memory_space<semaphore_mem>>)
    %dma_wait3A_197 = arith.constant 4 : i32
    %dma_wait3A_198 = arith.constant 256 : i32
    %dma_wait3A_199 = arith.constant 0 : i32
    %dma_wait3A_200 = tpu.memref_slice %arg6[%dma_wait3A_198, %dma_wait3A_199] : memref<512x128xf32, #tpu.memory_space<vmem>> -> memref<64x128xf32, #tpu.memory_space<vmem>>
    %dma_wait3A_201 = arith.constant 256 : i32
    %dma_wait3A_202 = tpu.memref_slice %arg5[%dma_wait3A_201] : memref<512xi32, #tpu.memory_space<vmem>> -> memref<64xi32, #tpu.memory_space<vmem>>
    %dma_wait3A_203 = arith.constant 0 : i32
    %dma_wait3A_204 = arith.constant 0 : i32
    %dma_wait3A_205 = tpu.memref_slice %arg7[%dma_wait3A_203, %dma_wait3A_204] : memref<1024x128xf32, #tpu.memory_space<vmem_shared>> -> memref<1024x128xf32, #tpu.memory_space<vmem_shared>>
    %dma_wait3A_206 = tpu.memref_slice %arg8[%dma_wait3A_197] : memref<8x!tpu.dma_semaphore, #tpu.memory_space<semaphore_mem>> -> memref<1x!tpu.dma_semaphore, #tpu.memory_space<semaphore_mem>>
    %dma_wait3A_207 = tpu.memref_squeeze %dma_wait3A_206 : memref<1x!tpu.dma_semaphore, #tpu.memory_space<semaphore_mem>> -> memref<!tpu.dma_semaphore, #tpu.memory_space<semaphore_mem>>
    tpu.wait_indirect_dma semaphore(%dma_wait3A_207 : memref<!tpu.dma_semaphore, #tpu.memory_space<semaphore_mem>>) src(%dma_wait3A_205 : memref<1024x128xf32, #tpu.memory_space<vmem_shared>>) dst(%dma_wait3A_200 : memref<64x128xf32, #tpu.memory_space<vmem>>)
    %add3A_208 = arith.constant 256 : i32
    %add3A_209 = arith.addi %mul3A_2, %add3A_208 : i32
    %dma_start3A_210 = arith.constant 4 : i32
    %dma_start3A_211 = arith.constant 256 : i32
    %dma_start3A_212 = arith.constant 0 : i32
    %dma_start3A_213 = tpu.memref_slice %arg6[%dma_start3A_211, %dma_start3A_212] : memref<512x128xf32, #tpu.memory_space<vmem>> -> memref<64x128xf32, #tpu.memory_space<vmem>>
    %dma_start3A_214 = arith.constant 0 : i32
    %dma_start3A_215 = tpu.memref_slice %arg4[%add3A_209, %dma_start3A_214] : memref<16384x128xf32, #tpu.memory_space<hbm>> -> memref<64x128xf32, #tpu.memory_space<hbm>>
    %dma_start3A_216 = tpu.memref_slice %arg9[%dma_start3A_210] : memref<8x!tpu.dma_semaphore, #tpu.memory_space<semaphore_mem>> -> memref<1x!tpu.dma_semaphore, #tpu.memory_space<semaphore_mem>>
    %dma_start3A_217 = tpu.memref_squeeze %dma_start3A_216 : memref<1x!tpu.dma_semaphore, #tpu.memory_space<semaphore_mem>> -> memref<!tpu.dma_semaphore, #tpu.memory_space<semaphore_mem>>
    %dma_start3A_218 = arith.constant 0 : i32
    %dma_start3A_219 = tpu.memref_slice %arg4[%add3A_209, %dma_start3A_218] : memref<16384x128xf32, #tpu.memory_space<hbm>> -> memref<64x128xf32, #tpu.memory_space<hbm>>
    %dma_start3A_220 = arith.constant 256 : i32
    %dma_start3A_221 = arith.constant 0 : i32
    %dma_start3A_222 = tpu.memref_slice %arg6[%dma_start3A_220, %dma_start3A_221] : memref<512x128xf32, #tpu.memory_space<vmem>> -> memref<64x128xf32, #tpu.memory_space<vmem>>
    tpu.enqueue_dma source(%dma_start3A_222 : memref<64x128xf32, #tpu.memory_space<vmem>>) target(%dma_start3A_219 : memref<64x128xf32, #tpu.memory_space<hbm>>) target_semaphore(%dma_start3A_217 : memref<!tpu.dma_semaphore, #tpu.memory_space<semaphore_mem>>)
    %dma_wait3A_223 = arith.constant 5 : i32
    %dma_wait3A_224 = arith.constant 320 : i32
    %dma_wait3A_225 = arith.constant 0 : i32
    %dma_wait3A_226 = tpu.memref_slice %arg6[%dma_wait3A_224, %dma_wait3A_225] : memref<512x128xf32, #tpu.memory_space<vmem>> -> memref<64x128xf32, #tpu.memory_space<vmem>>
    %dma_wait3A_227 = arith.constant 320 : i32
    %dma_wait3A_228 = tpu.memref_slice %arg5[%dma_wait3A_227] : memref<512xi32, #tpu.memory_space<vmem>> -> memref<64xi32, #tpu.memory_space<vmem>>
    %dma_wait3A_229 = arith.constant 0 : i32
    %dma_wait3A_230 = arith.constant 0 : i32
    %dma_wait3A_231 = tpu.memref_slice %arg7[%dma_wait3A_229, %dma_wait3A_230] : memref<1024x128xf32, #tpu.memory_space<vmem_shared>> -> memref<1024x128xf32, #tpu.memory_space<vmem_shared>>
    %dma_wait3A_232 = tpu.memref_slice %arg8[%dma_wait3A_223] : memref<8x!tpu.dma_semaphore, #tpu.memory_space<semaphore_mem>> -> memref<1x!tpu.dma_semaphore, #tpu.memory_space<semaphore_mem>>
    %dma_wait3A_233 = tpu.memref_squeeze %dma_wait3A_232 : memref<1x!tpu.dma_semaphore, #tpu.memory_space<semaphore_mem>> -> memref<!tpu.dma_semaphore, #tpu.memory_space<semaphore_mem>>
    tpu.wait_indirect_dma semaphore(%dma_wait3A_233 : memref<!tpu.dma_semaphore, #tpu.memory_space<semaphore_mem>>) src(%dma_wait3A_231 : memref<1024x128xf32, #tpu.memory_space<vmem_shared>>) dst(%dma_wait3A_226 : memref<64x128xf32, #tpu.memory_space<vmem>>)
    %add3A_234 = arith.constant 320 : i32
    %add3A_235 = arith.addi %mul3A_2, %add3A_234 : i32
    %dma_start3A_236 = arith.constant 5 : i32
    %dma_start3A_237 = arith.constant 320 : i32
    %dma_start3A_238 = arith.constant 0 : i32
    %dma_start3A_239 = tpu.memref_slice %arg6[%dma_start3A_237, %dma_start3A_238] : memref<512x128xf32, #tpu.memory_space<vmem>> -> memref<64x128xf32, #tpu.memory_space<vmem>>
    %dma_start3A_240 = arith.constant 0 : i32
    %dma_start3A_241 = tpu.memref_slice %arg4[%add3A_235, %dma_start3A_240] : memref<16384x128xf32, #tpu.memory_space<hbm>> -> memref<64x128xf32, #tpu.memory_space<hbm>>
    %dma_start3A_242 = tpu.memref_slice %arg9[%dma_start3A_236] : memref<8x!tpu.dma_semaphore, #tpu.memory_space<semaphore_mem>> -> memref<1x!tpu.dma_semaphore, #tpu.memory_space<semaphore_mem>>
    %dma_start3A_243 = tpu.memref_squeeze %dma_start3A_242 : memref<1x!tpu.dma_semaphore, #tpu.memory_space<semaphore_mem>> -> memref<!tpu.dma_semaphore, #tpu.memory_space<semaphore_mem>>
    %dma_start3A_244 = arith.constant 0 : i32
    %dma_start3A_245 = tpu.memref_slice %arg4[%add3A_235, %dma_start3A_244] : memref<16384x128xf32, #tpu.memory_space<hbm>> -> memref<64x128xf32, #tpu.memory_space<hbm>>
    %dma_start3A_246 = arith.constant 320 : i32
    %dma_start3A_247 = arith.constant 0 : i32
    %dma_start3A_248 = tpu.memref_slice %arg6[%dma_start3A_246, %dma_start3A_247] : memref<512x128xf32, #tpu.memory_space<vmem>> -> memref<64x128xf32, #tpu.memory_space<vmem>>
    tpu.enqueue_dma source(%dma_start3A_248 : memref<64x128xf32, #tpu.memory_space<vmem>>) target(%dma_start3A_245 : memref<64x128xf32, #tpu.memory_space<hbm>>) target_semaphore(%dma_start3A_243 : memref<!tpu.dma_semaphore, #tpu.memory_space<semaphore_mem>>)
    %dma_wait3A_249 = arith.constant 6 : i32
    %dma_wait3A_250 = arith.constant 384 : i32
    %dma_wait3A_251 = arith.constant 0 : i32
    %dma_wait3A_252 = tpu.memref_slice %arg6[%dma_wait3A_250, %dma_wait3A_251] : memref<512x128xf32, #tpu.memory_space<vmem>> -> memref<64x128xf32, #tpu.memory_space<vmem>>
    %dma_wait3A_253 = arith.constant 384 : i32
    %dma_wait3A_254 = tpu.memref_slice %arg5[%dma_wait3A_253] : memref<512xi32, #tpu.memory_space<vmem>> -> memref<64xi32, #tpu.memory_space<vmem>>
    %dma_wait3A_255 = arith.constant 0 : i32
    %dma_wait3A_256 = arith.constant 0 : i32
    %dma_wait3A_257 = tpu.memref_slice %arg7[%dma_wait3A_255, %dma_wait3A_256] : memref<1024x128xf32, #tpu.memory_space<vmem_shared>> -> memref<1024x128xf32, #tpu.memory_space<vmem_shared>>
    %dma_wait3A_258 = tpu.memref_slice %arg8[%dma_wait3A_249] : memref<8x!tpu.dma_semaphore, #tpu.memory_space<semaphore_mem>> -> memref<1x!tpu.dma_semaphore, #tpu.memory_space<semaphore_mem>>
    %dma_wait3A_259 = tpu.memref_squeeze %dma_wait3A_258 : memref<1x!tpu.dma_semaphore, #tpu.memory_space<semaphore_mem>> -> memref<!tpu.dma_semaphore, #tpu.memory_space<semaphore_mem>>
    tpu.wait_indirect_dma semaphore(%dma_wait3A_259 : memref<!tpu.dma_semaphore, #tpu.memory_space<semaphore_mem>>) src(%dma_wait3A_257 : memref<1024x128xf32, #tpu.memory_space<vmem_shared>>) dst(%dma_wait3A_252 : memref<64x128xf32, #tpu.memory_space<vmem>>)
    %add3A_260 = arith.constant 384 : i32
    %add3A_261 = arith.addi %mul3A_2, %add3A_260 : i32
    %dma_start3A_262 = arith.constant 6 : i32
    %dma_start3A_263 = arith.constant 384 : i32
    %dma_start3A_264 = arith.constant 0 : i32
    %dma_start3A_265 = tpu.memref_slice %arg6[%dma_start3A_263, %dma_start3A_264] : memref<512x128xf32, #tpu.memory_space<vmem>> -> memref<64x128xf32, #tpu.memory_space<vmem>>
    %dma_start3A_266 = arith.constant 0 : i32
    %dma_start3A_267 = tpu.memref_slice %arg4[%add3A_261, %dma_start3A_266] : memref<16384x128xf32, #tpu.memory_space<hbm>> -> memref<64x128xf32, #tpu.memory_space<hbm>>
    %dma_start3A_268 = tpu.memref_slice %arg9[%dma_start3A_262] : memref<8x!tpu.dma_semaphore, #tpu.memory_space<semaphore_mem>> -> memref<1x!tpu.dma_semaphore, #tpu.memory_space<semaphore_mem>>
    %dma_start3A_269 = tpu.memref_squeeze %dma_start3A_268 : memref<1x!tpu.dma_semaphore, #tpu.memory_space<semaphore_mem>> -> memref<!tpu.dma_semaphore, #tpu.memory_space<semaphore_mem>>
    %dma_start3A_270 = arith.constant 0 : i32
    %dma_start3A_271 = tpu.memref_slice %arg4[%add3A_261, %dma_start3A_270] : memref<16384x128xf32, #tpu.memory_space<hbm>> -> memref<64x128xf32, #tpu.memory_space<hbm>>
    %dma_start3A_272 = arith.constant 384 : i32
    %dma_start3A_273 = arith.constant 0 : i32
    %dma_start3A_274 = tpu.memref_slice %arg6[%dma_start3A_272, %dma_start3A_273] : memref<512x128xf32, #tpu.memory_space<vmem>> -> memref<64x128xf32, #tpu.memory_space<vmem>>
    tpu.enqueue_dma source(%dma_start3A_274 : memref<64x128xf32, #tpu.memory_space<vmem>>) target(%dma_start3A_271 : memref<64x128xf32, #tpu.memory_space<hbm>>) target_semaphore(%dma_start3A_269 : memref<!tpu.dma_semaphore, #tpu.memory_space<semaphore_mem>>)
    %dma_wait3A_275 = arith.constant 7 : i32
    %dma_wait3A_276 = arith.constant 448 : i32
    %dma_wait3A_277 = arith.constant 0 : i32
    %dma_wait3A_278 = tpu.memref_slice %arg6[%dma_wait3A_276, %dma_wait3A_277] : memref<512x128xf32, #tpu.memory_space<vmem>> -> memref<64x128xf32, #tpu.memory_space<vmem>>
    %dma_wait3A_279 = arith.constant 448 : i32
    %dma_wait3A_280 = tpu.memref_slice %arg5[%dma_wait3A_279] : memref<512xi32, #tpu.memory_space<vmem>> -> memref<64xi32, #tpu.memory_space<vmem>>
    %dma_wait3A_281 = arith.constant 0 : i32
    %dma_wait3A_282 = arith.constant 0 : i32
    %dma_wait3A_283 = tpu.memref_slice %arg7[%dma_wait3A_281, %dma_wait3A_282] : memref<1024x128xf32, #tpu.memory_space<vmem_shared>> -> memref<1024x128xf32, #tpu.memory_space<vmem_shared>>
    %dma_wait3A_284 = tpu.memref_slice %arg8[%dma_wait3A_275] : memref<8x!tpu.dma_semaphore, #tpu.memory_space<semaphore_mem>> -> memref<1x!tpu.dma_semaphore, #tpu.memory_space<semaphore_mem>>
    %dma_wait3A_285 = tpu.memref_squeeze %dma_wait3A_284 : memref<1x!tpu.dma_semaphore, #tpu.memory_space<semaphore_mem>> -> memref<!tpu.dma_semaphore, #tpu.memory_space<semaphore_mem>>
    tpu.wait_indirect_dma semaphore(%dma_wait3A_285 : memref<!tpu.dma_semaphore, #tpu.memory_space<semaphore_mem>>) src(%dma_wait3A_283 : memref<1024x128xf32, #tpu.memory_space<vmem_shared>>) dst(%dma_wait3A_278 : memref<64x128xf32, #tpu.memory_space<vmem>>)
    %add3A_286 = arith.constant 448 : i32
    %add3A_287 = arith.addi %mul3A_2, %add3A_286 : i32
    %dma_start3A_288 = arith.constant 7 : i32
    %dma_start3A_289 = arith.constant 448 : i32
    %dma_start3A_290 = arith.constant 0 : i32
    %dma_start3A_291 = tpu.memref_slice %arg6[%dma_start3A_289, %dma_start3A_290] : memref<512x128xf32, #tpu.memory_space<vmem>> -> memref<64x128xf32, #tpu.memory_space<vmem>>
    %dma_start3A_292 = arith.constant 0 : i32
    %dma_start3A_293 = tpu.memref_slice %arg4[%add3A_287, %dma_start3A_292] : memref<16384x128xf32, #tpu.memory_space<hbm>> -> memref<64x128xf32, #tpu.memory_space<hbm>>
    %dma_start3A_294 = tpu.memref_slice %arg9[%dma_start3A_288] : memref<8x!tpu.dma_semaphore, #tpu.memory_space<semaphore_mem>> -> memref<1x!tpu.dma_semaphore, #tpu.memory_space<semaphore_mem>>
    %dma_start3A_295 = tpu.memref_squeeze %dma_start3A_294 : memref<1x!tpu.dma_semaphore, #tpu.memory_space<semaphore_mem>> -> memref<!tpu.dma_semaphore, #tpu.memory_space<semaphore_mem>>
    %dma_start3A_296 = arith.constant 0 : i32
    %dma_start3A_297 = tpu.memref_slice %arg4[%add3A_287, %dma_start3A_296] : memref<16384x128xf32, #tpu.memory_space<hbm>> -> memref<64x128xf32, #tpu.memory_space<hbm>>
    %dma_start3A_298 = arith.constant 448 : i32
    %dma_start3A_299 = arith.constant 0 : i32
    %dma_start3A_300 = tpu.memref_slice %arg6[%dma_start3A_298, %dma_start3A_299] : memref<512x128xf32, #tpu.memory_space<vmem>> -> memref<64x128xf32, #tpu.memory_space<vmem>>
    tpu.enqueue_dma source(%dma_start3A_300 : memref<64x128xf32, #tpu.memory_space<vmem>>) target(%dma_start3A_297 : memref<64x128xf32, #tpu.memory_space<hbm>>) target_semaphore(%dma_start3A_295 : memref<!tpu.dma_semaphore, #tpu.memory_space<semaphore_mem>>)
    %dma_wait3A_301 = arith.constant 0 : i32
    %dma_wait3A_302 = arith.constant 0 : i32
    %dma_wait3A_303 = arith.constant 0 : i32
    %dma_wait3A_304 = tpu.memref_slice %arg6[%dma_wait3A_302, %dma_wait3A_303] : memref<512x128xf32, #tpu.memory_space<vmem>> -> memref<64x128xf32, #tpu.memory_space<vmem>>
    %dma_wait3A_305 = arith.constant 0 : i32
    %dma_wait3A_306 = tpu.memref_slice %arg4[%add3A_105, %dma_wait3A_305] : memref<16384x128xf32, #tpu.memory_space<hbm>> -> memref<64x128xf32, #tpu.memory_space<hbm>>
    %dma_wait3A_307 = tpu.memref_slice %arg9[%dma_wait3A_301] : memref<8x!tpu.dma_semaphore, #tpu.memory_space<semaphore_mem>> -> memref<1x!tpu.dma_semaphore, #tpu.memory_space<semaphore_mem>>
    %dma_wait3A_308 = tpu.memref_squeeze %dma_wait3A_307 : memref<1x!tpu.dma_semaphore, #tpu.memory_space<semaphore_mem>> -> memref<!tpu.dma_semaphore, #tpu.memory_space<semaphore_mem>>
    %dma_wait3A_309 = arith.constant 0 : i32
    %dma_wait3A_310 = tpu.memref_slice %arg4[%add3A_105, %dma_wait3A_309] : memref<16384x128xf32, #tpu.memory_space<hbm>> -> memref<64x128xf32, #tpu.memory_space<hbm>>
    %dma_wait3A_311 = arith.constant 0 : i32
    %dma_wait3A_312 = arith.constant 0 : i32
    %dma_wait3A_313 = tpu.memref_slice %arg6[%dma_wait3A_311, %dma_wait3A_312] : memref<512x128xf32, #tpu.memory_space<vmem>> -> memref<64x128xf32, #tpu.memory_space<vmem>>
    tpu.wait_dma2 semaphore(%dma_wait3A_308 : memref<!tpu.dma_semaphore, #tpu.memory_space<semaphore_mem>>) src(%dma_wait3A_313 : memref<64x128xf32, #tpu.memory_space<vmem>>) dst(%dma_wait3A_310 : memref<64x128xf32, #tpu.memory_space<hbm>>)
    %dma_wait3A_314 = arith.constant 1 : i32
    %dma_wait3A_315 = arith.constant 64 : i32
    %dma_wait3A_316 = arith.constant 0 : i32
    %dma_wait3A_317 = tpu.memref_slice %arg6[%dma_wait3A_315, %dma_wait3A_316] : memref<512x128xf32, #tpu.memory_space<vmem>> -> memref<64x128xf32, #tpu.memory_space<vmem>>
    %dma_wait3A_318 = arith.constant 0 : i32
    %dma_wait3A_319 = tpu.memref_slice %arg4[%add3A_131, %dma_wait3A_318] : memref<16384x128xf32, #tpu.memory_space<hbm>> -> memref<64x128xf32, #tpu.memory_space<hbm>>
    %dma_wait3A_320 = tpu.memref_slice %arg9[%dma_wait3A_314] : memref<8x!tpu.dma_semaphore, #tpu.memory_space<semaphore_mem>> -> memref<1x!tpu.dma_semaphore, #tpu.memory_space<semaphore_mem>>
    %dma_wait3A_321 = tpu.memref_squeeze %dma_wait3A_320 : memref<1x!tpu.dma_semaphore, #tpu.memory_space<semaphore_mem>> -> memref<!tpu.dma_semaphore, #tpu.memory_space<semaphore_mem>>
    %dma_wait3A_322 = arith.constant 0 : i32
    %dma_wait3A_323 = tpu.memref_slice %arg4[%add3A_131, %dma_wait3A_322] : memref<16384x128xf32, #tpu.memory_space<hbm>> -> memref<64x128xf32, #tpu.memory_space<hbm>>
    %dma_wait3A_324 = arith.constant 64 : i32
    %dma_wait3A_325 = arith.constant 0 : i32
    %dma_wait3A_326 = tpu.memref_slice %arg6[%dma_wait3A_324, %dma_wait3A_325] : memref<512x128xf32, #tpu.memory_space<vmem>> -> memref<64x128xf32, #tpu.memory_space<vmem>>
    tpu.wait_dma2 semaphore(%dma_wait3A_321 : memref<!tpu.dma_semaphore, #tpu.memory_space<semaphore_mem>>) src(%dma_wait3A_326 : memref<64x128xf32, #tpu.memory_space<vmem>>) dst(%dma_wait3A_323 : memref<64x128xf32, #tpu.memory_space<hbm>>)
    %dma_wait3A_327 = arith.constant 2 : i32
    %dma_wait3A_328 = arith.constant 128 : i32
    %dma_wait3A_329 = arith.constant 0 : i32
    %dma_wait3A_330 = tpu.memref_slice %arg6[%dma_wait3A_328, %dma_wait3A_329] : memref<512x128xf32, #tpu.memory_space<vmem>> -> memref<64x128xf32, #tpu.memory_space<vmem>>
    %dma_wait3A_331 = arith.constant 0 : i32
    %dma_wait3A_332 = tpu.memref_slice %arg4[%add3A_157, %dma_wait3A_331] : memref<16384x128xf32, #tpu.memory_space<hbm>> -> memref<64x128xf32, #tpu.memory_space<hbm>>
    %dma_wait3A_333 = tpu.memref_slice %arg9[%dma_wait3A_327] : memref<8x!tpu.dma_semaphore, #tpu.memory_space<semaphore_mem>> -> memref<1x!tpu.dma_semaphore, #tpu.memory_space<semaphore_mem>>
    %dma_wait3A_334 = tpu.memref_squeeze %dma_wait3A_333 : memref<1x!tpu.dma_semaphore, #tpu.memory_space<semaphore_mem>> -> memref<!tpu.dma_semaphore, #tpu.memory_space<semaphore_mem>>
    %dma_wait3A_335 = arith.constant 0 : i32
    %dma_wait3A_336 = tpu.memref_slice %arg4[%add3A_157, %dma_wait3A_335] : memref<16384x128xf32, #tpu.memory_space<hbm>> -> memref<64x128xf32, #tpu.memory_space<hbm>>
    %dma_wait3A_337 = arith.constant 128 : i32
    %dma_wait3A_338 = arith.constant 0 : i32
    %dma_wait3A_339 = tpu.memref_slice %arg6[%dma_wait3A_337, %dma_wait3A_338] : memref<512x128xf32, #tpu.memory_space<vmem>> -> memref<64x128xf32, #tpu.memory_space<vmem>>
    tpu.wait_dma2 semaphore(%dma_wait3A_334 : memref<!tpu.dma_semaphore, #tpu.memory_space<semaphore_mem>>) src(%dma_wait3A_339 : memref<64x128xf32, #tpu.memory_space<vmem>>) dst(%dma_wait3A_336 : memref<64x128xf32, #tpu.memory_space<hbm>>)
    %dma_wait3A_340 = arith.constant 3 : i32
    %dma_wait3A_341 = arith.constant 192 : i32
    %dma_wait3A_342 = arith.constant 0 : i32
    %dma_wait3A_343 = tpu.memref_slice %arg6[%dma_wait3A_341, %dma_wait3A_342] : memref<512x128xf32, #tpu.memory_space<vmem>> -> memref<64x128xf32, #tpu.memory_space<vmem>>
    %dma_wait3A_344 = arith.constant 0 : i32
    %dma_wait3A_345 = tpu.memref_slice %arg4[%add3A_183, %dma_wait3A_344] : memref<16384x128xf32, #tpu.memory_space<hbm>> -> memref<64x128xf32, #tpu.memory_space<hbm>>
    %dma_wait3A_346 = tpu.memref_slice %arg9[%dma_wait3A_340] : memref<8x!tpu.dma_semaphore, #tpu.memory_space<semaphore_mem>> -> memref<1x!tpu.dma_semaphore, #tpu.memory_space<semaphore_mem>>
    %dma_wait3A_347 = tpu.memref_squeeze %dma_wait3A_346 : memref<1x!tpu.dma_semaphore, #tpu.memory_space<semaphore_mem>> -> memref<!tpu.dma_semaphore, #tpu.memory_space<semaphore_mem>>
    %dma_wait3A_348 = arith.constant 0 : i32
    %dma_wait3A_349 = tpu.memref_slice %arg4[%add3A_183, %dma_wait3A_348] : memref<16384x128xf32, #tpu.memory_space<hbm>> -> memref<64x128xf32, #tpu.memory_space<hbm>>
    %dma_wait3A_350 = arith.constant 192 : i32
    %dma_wait3A_351 = arith.constant 0 : i32
    %dma_wait3A_352 = tpu.memref_slice %arg6[%dma_wait3A_350, %dma_wait3A_351] : memref<512x128xf32, #tpu.memory_space<vmem>> -> memref<64x128xf32, #tpu.memory_space<vmem>>
    tpu.wait_dma2 semaphore(%dma_wait3A_347 : memref<!tpu.dma_semaphore, #tpu.memory_space<semaphore_mem>>) src(%dma_wait3A_352 : memref<64x128xf32, #tpu.memory_space<vmem>>) dst(%dma_wait3A_349 : memref<64x128xf32, #tpu.memory_space<hbm>>)
    %dma_wait3A_353 = arith.constant 4 : i32
    %dma_wait3A_354 = arith.constant 256 : i32
    %dma_wait3A_355 = arith.constant 0 : i32
    %dma_wait3A_356 = tpu.memref_slice %arg6[%dma_wait3A_354, %dma_wait3A_355] : memref<512x128xf32, #tpu.memory_space<vmem>> -> memref<64x128xf32, #tpu.memory_space<vmem>>
    %dma_wait3A_357 = arith.constant 0 : i32
    %dma_wait3A_358 = tpu.memref_slice %arg4[%add3A_209, %dma_wait3A_357] : memref<16384x128xf32, #tpu.memory_space<hbm>> -> memref<64x128xf32, #tpu.memory_space<hbm>>
    %dma_wait3A_359 = tpu.memref_slice %arg9[%dma_wait3A_353] : memref<8x!tpu.dma_semaphore, #tpu.memory_space<semaphore_mem>> -> memref<1x!tpu.dma_semaphore, #tpu.memory_space<semaphore_mem>>
    %dma_wait3A_360 = tpu.memref_squeeze %dma_wait3A_359 : memref<1x!tpu.dma_semaphore, #tpu.memory_space<semaphore_mem>> -> memref<!tpu.dma_semaphore, #tpu.memory_space<semaphore_mem>>
    %dma_wait3A_361 = arith.constant 0 : i32
    %dma_wait3A_362 = tpu.memref_slice %arg4[%add3A_209, %dma_wait3A_361] : memref<16384x128xf32, #tpu.memory_space<hbm>> -> memref<64x128xf32, #tpu.memory_space<hbm>>
    %dma_wait3A_363 = arith.constant 256 : i32
    %dma_wait3A_364 = arith.constant 0 : i32
    %dma_wait3A_365 = tpu.memref_slice %arg6[%dma_wait3A_363, %dma_wait3A_364] : memref<512x128xf32, #tpu.memory_space<vmem>> -> memref<64x128xf32, #tpu.memory_space<vmem>>
    tpu.wait_dma2 semaphore(%dma_wait3A_360 : memref<!tpu.dma_semaphore, #tpu.memory_space<semaphore_mem>>) src(%dma_wait3A_365 : memref<64x128xf32, #tpu.memory_space<vmem>>) dst(%dma_wait3A_362 : memref<64x128xf32, #tpu.memory_space<hbm>>)
    %dma_wait3A_366 = arith.constant 5 : i32
    %dma_wait3A_367 = arith.constant 320 : i32
    %dma_wait3A_368 = arith.constant 0 : i32
    %dma_wait3A_369 = tpu.memref_slice %arg6[%dma_wait3A_367, %dma_wait3A_368] : memref<512x128xf32, #tpu.memory_space<vmem>> -> memref<64x128xf32, #tpu.memory_space<vmem>>
    %dma_wait3A_370 = arith.constant 0 : i32
    %dma_wait3A_371 = tpu.memref_slice %arg4[%add3A_235, %dma_wait3A_370] : memref<16384x128xf32, #tpu.memory_space<hbm>> -> memref<64x128xf32, #tpu.memory_space<hbm>>
    %dma_wait3A_372 = tpu.memref_slice %arg9[%dma_wait3A_366] : memref<8x!tpu.dma_semaphore, #tpu.memory_space<semaphore_mem>> -> memref<1x!tpu.dma_semaphore, #tpu.memory_space<semaphore_mem>>
    %dma_wait3A_373 = tpu.memref_squeeze %dma_wait3A_372 : memref<1x!tpu.dma_semaphore, #tpu.memory_space<semaphore_mem>> -> memref<!tpu.dma_semaphore, #tpu.memory_space<semaphore_mem>>
    %dma_wait3A_374 = arith.constant 0 : i32
    %dma_wait3A_375 = tpu.memref_slice %arg4[%add3A_235, %dma_wait3A_374] : memref<16384x128xf32, #tpu.memory_space<hbm>> -> memref<64x128xf32, #tpu.memory_space<hbm>>
    %dma_wait3A_376 = arith.constant 320 : i32
    %dma_wait3A_377 = arith.constant 0 : i32
    %dma_wait3A_378 = tpu.memref_slice %arg6[%dma_wait3A_376, %dma_wait3A_377] : memref<512x128xf32, #tpu.memory_space<vmem>> -> memref<64x128xf32, #tpu.memory_space<vmem>>
    tpu.wait_dma2 semaphore(%dma_wait3A_373 : memref<!tpu.dma_semaphore, #tpu.memory_space<semaphore_mem>>) src(%dma_wait3A_378 : memref<64x128xf32, #tpu.memory_space<vmem>>) dst(%dma_wait3A_375 : memref<64x128xf32, #tpu.memory_space<hbm>>)
    %dma_wait3A_379 = arith.constant 6 : i32
    %dma_wait3A_380 = arith.constant 384 : i32
    %dma_wait3A_381 = arith.constant 0 : i32
    %dma_wait3A_382 = tpu.memref_slice %arg6[%dma_wait3A_380, %dma_wait3A_381] : memref<512x128xf32, #tpu.memory_space<vmem>> -> memref<64x128xf32, #tpu.memory_space<vmem>>
    %dma_wait3A_383 = arith.constant 0 : i32
    %dma_wait3A_384 = tpu.memref_slice %arg4[%add3A_261, %dma_wait3A_383] : memref<16384x128xf32, #tpu.memory_space<hbm>> -> memref<64x128xf32, #tpu.memory_space<hbm>>
    %dma_wait3A_385 = tpu.memref_slice %arg9[%dma_wait3A_379] : memref<8x!tpu.dma_semaphore, #tpu.memory_space<semaphore_mem>> -> memref<1x!tpu.dma_semaphore, #tpu.memory_space<semaphore_mem>>
    %dma_wait3A_386 = tpu.memref_squeeze %dma_wait3A_385 : memref<1x!tpu.dma_semaphore, #tpu.memory_space<semaphore_mem>> -> memref<!tpu.dma_semaphore, #tpu.memory_space<semaphore_mem>>
    %dma_wait3A_387 = arith.constant 0 : i32
    %dma_wait3A_388 = tpu.memref_slice %arg4[%add3A_261, %dma_wait3A_387] : memref<16384x128xf32, #tpu.memory_space<hbm>> -> memref<64x128xf32, #tpu.memory_space<hbm>>
    %dma_wait3A_389 = arith.constant 384 : i32
    %dma_wait3A_390 = arith.constant 0 : i32
    %dma_wait3A_391 = tpu.memref_slice %arg6[%dma_wait3A_389, %dma_wait3A_390] : memref<512x128xf32, #tpu.memory_space<vmem>> -> memref<64x128xf32, #tpu.memory_space<vmem>>
    tpu.wait_dma2 semaphore(%dma_wait3A_386 : memref<!tpu.dma_semaphore, #tpu.memory_space<semaphore_mem>>) src(%dma_wait3A_391 : memref<64x128xf32, #tpu.memory_space<vmem>>) dst(%dma_wait3A_388 : memref<64x128xf32, #tpu.memory_space<hbm>>)
    %dma_wait3A_392 = arith.constant 7 : i32
    %dma_wait3A_393 = arith.constant 448 : i32
    %dma_wait3A_394 = arith.constant 0 : i32
    %dma_wait3A_395 = tpu.memref_slice %arg6[%dma_wait3A_393, %dma_wait3A_394] : memref<512x128xf32, #tpu.memory_space<vmem>> -> memref<64x128xf32, #tpu.memory_space<vmem>>
    %dma_wait3A_396 = arith.constant 0 : i32
    %dma_wait3A_397 = tpu.memref_slice %arg4[%add3A_287, %dma_wait3A_396] : memref<16384x128xf32, #tpu.memory_space<hbm>> -> memref<64x128xf32, #tpu.memory_space<hbm>>
    %dma_wait3A_398 = tpu.memref_slice %arg9[%dma_wait3A_392] : memref<8x!tpu.dma_semaphore, #tpu.memory_space<semaphore_mem>> -> memref<1x!tpu.dma_semaphore, #tpu.memory_space<semaphore_mem>>
    %dma_wait3A_399 = tpu.memref_squeeze %dma_wait3A_398 : memref<1x!tpu.dma_semaphore, #tpu.memory_space<semaphore_mem>> -> memref<!tpu.dma_semaphore, #tpu.memory_space<semaphore_mem>>
    %dma_wait3A_400 = arith.constant 0 : i32
    %dma_wait3A_401 = tpu.memref_slice %arg4[%add3A_287, %dma_wait3A_400] : memref<16384x128xf32, #tpu.memory_space<hbm>> -> memref<64x128xf32, #tpu.memory_space<hbm>>
    %dma_wait3A_402 = arith.constant 448 : i32
    %dma_wait3A_403 = arith.constant 0 : i32
    %dma_wait3A_404 = tpu.memref_slice %arg6[%dma_wait3A_402, %dma_wait3A_403] : memref<512x128xf32, #tpu.memory_space<vmem>> -> memref<64x128xf32, #tpu.memory_space<vmem>>
    tpu.wait_dma2 semaphore(%dma_wait3A_399 : memref<!tpu.dma_semaphore, #tpu.memory_space<semaphore_mem>>) src(%dma_wait3A_404 : memref<64x128xf32, #tpu.memory_space<vmem>>) dst(%dma_wait3A_401 : memref<64x128xf32, #tpu.memory_space<hbm>>)
    return
  }
}

</mosaic_0001>

<sc_bundles>
// kernel: kernel.3.cloned.1.call-start
scs
__scs_entry_jumppad:
0x0: {  	(pc) =	sbr.rel $0x88, $3  }
0x1: {  	(tag) =	ssettag $0x0;
	lr =	simm.s32 $0x1  }
0x2: {  	[smem:$0x3F9F] =	sst lr;
	_ =	strace $0xD0000000  }
0x3: {  	_ = 	snop  }
0x4: {  	_ = 	snop  }
0x5: {  	_ = 	snop  }
0x6: {  	_ = 	snop  }
0x7: {  	_ = 	snop  }
__scs_overlays_trampoline_lowered:
0x8: {  	[smem:$0x3FAE] =	sst s0  }
0x9: {  	[smem:$0x3FAF] =	sst s1  }
0xa: {  	[smem:$0x3FB0] =	sst s2  }
0xb: {  	[smem:$0x3FB1] =	sst s3  }
0xc: {  	[smem:$0x3FB2] =	sst s4  }
0xd: {  	[smem:$0x3FB3] =	sst s5  }
0xe: {  	[smem:$0x3FB4] =	sst s6  }
0xf: {  	[smem:$0x3FB5] =	sst s7  }
0x10: {  	[smem:$0x3FB6] =	sst s8  }
0x11: {  	[smem:$0x3FB7] =	sst s9;
	s0 =	simm.s32 @!p0 $0x0  }
0x12: {  	s1 =	sld [smem:$0x3F9D];
	s0 =	simm.s32 @p0 $0x1  }
0x13: {  	[smem:$0x3FB8] =	sst s0;
	s0 =	simm.s32 @!p1 $0x0  }
0x14: {  	s2 =	sld [smem:$0x3F9C];
	s0 =	simm.s32 @p1 $0x1  }
0x15: {  	[smem:$0x3FB9] =	sst s0;
	s0 =	simm.s32 @!p2 $0x0  }
0x16: {  	s3 =	sld [smem:$0x3FDB];
	s0 =	simm.s32 @p2 $0x1  }
0x17: {  	s4 =	simm.s32 $0x1BF5;
	[smem:$0x3FBB] =	sst s0  }
0x18: {  	s0 =	sld [smem:$0x3F9E];
	_ =	swait.ge [sflag:s4], $0x0  }
0x19: {  	s7 =	sld [smem:$0x3F9F]  }
0x1a: {  	s8 =	sadd.s32 $0xFFFFE003, lr  }
0x1b: {  	s9 =	sadd.s32 $0xFFFFFEF7, lr;
	s5 =	simm.s32 $0xFFFFFFFF;
	p2 =	slt.u32 s8, $0xFFFFF086  }
0x1c: {  	p1 =	slt.u32 s9, $0xF7A;
	s5 =	simm.s32 @!p2 $0x0  }
0x1d: {  	s5 =	simm.s32 @p1 $0x1;
	p0 =	seq.s32 s7, s2  }
0x1e: {  	s7 =	smul.u32 @!p0 $0xF7A, s2;
	p2 =	seq.s32 @!p0 s5, $0x0  }
0x1f: {  	s9 =	smul.u32 $0xF7A, s1;
	s8 =	simm.s32 @!p0 $0x1BF5;
	p2 =	por !p2, p0  }
0x20: {  	[sflag:s8] =	ssyncset.s32 @!p0 $0xFFFFF086;
	s6 =	sadd.s32 @!p0 s3, s7;
	s7 =	simm.s32 @!p0 $0x108  }
0x21: {  	s3 =	sadd.s32 s3, s9;
	s6 =	sadd.s32 @!p0 $0x88, s6;
	s7 =	simm.s32 @p2 $0x1082  }
0x22: {  	[simem:s7], [sflag:s8] =	dma.local @!p0 [hbm:s6], $0xF7A  }
0x23: {  	s9 =	sor.u32 $0xD0000000, s2;
	s6 =	simm.s32 $0x108;
	_ =	swait.ge @!p0 [sflag:s8], $0x0  }
0x24: {  	s3 =	sadd.s32 $0x88, s3;
	s6 =	simm.s32 @!p1 $0x1082;
	[sflag:s4] =	ssyncset.s32 $0xFFFFF086  }
0x25: {  	[simem:s6], [sflag:s4] =	dma.local [hbm:s3], $0xF7A  }
0x26: {  	[smem:$0x3F9F] =	sst s1;
	(tag) =	ssettag s2;
	_ =	strace s9  }
0x27: {  	s1 =	sld [smem:$0x3FAF]  }
0x28: {  	s2 =	sld [smem:$0x3FB0]  }
0x29: {  	s4 =	sld [smem:$0x3FB2]  }
0x2a: {  	p0 =	seq.s32 s5, $0x0;
	s5 =	sld [smem:$0x3FB3]  }
0x2b: {  	s6 =	sld [smem:$0x3FB4]  }
0x2c: {  	s7 =	sld [smem:$0x3FB5]  }
0x2d: {  	s3 =	simm.s32 $0x108;
	s8 =	sld [smem:$0x3FB6]  }
0x2e: {  	s3 =	simm.s32 @!p0 $0x1082;
	s9 =	sld [smem:$0x3FB7]  }
0x2f: {  	lr =	sadd.s32 s0, s3;
	s0 =	sld [smem:$0x3FAE]  }
0x30: {  	s3 =	sld [smem:$0x3FB1]  }
0x31: {  	[smem:$0x3FBA] =	sst s10  }
0x32: {  	s10 =	sld [smem:$0x3FB8];
	_ =	sdelay $0x3  }
0x33: {  	p0 =	seq.s32 s10, $0x1;
	s10 =	sld [smem:$0x3FBA];
	_ =	sdelay $0x3  }
0x34: {  	[smem:$0x3FBA] =	sst s10  }
0x35: {  	s10 =	sld [smem:$0x3FB9];
	_ =	sdelay $0x3  }
0x36: {  	p1 =	seq.s32 s10, $0x1;
	s10 =	sld [smem:$0x3FBA];
	_ =	sdelay $0x3  }
0x37: {  	[smem:$0x3FBA] =	sst s10  }
0x38: {  	s10 =	sld [smem:$0x3FBB]  }
0x39: {  	_ = 	snop;
	(pc) =	sbr.ind lr, $3  }
0x3a: {  	_ = 	snop  }
0x3b: {  	_ = 	snop  }
0x3c: {  	p2 =	seq.s32 s10, $0x1;
	s10 =	sld [smem:$0x3FBA]  }
0x3d: {  	_ =	shalt  }
0x3e: {  	_ =	shalt  }
0x3f: {  	_ =	shalt  }
0x40: {  	_ =	shalt  }
0x41: {  	_ =	shalt  }
0x42: {  	_ =	shalt  }
0x43: {  	_ =	shalt  }
0x44: {  	_ =	shalt  }
0x45: {  	_ =	shalt  }
0x46: {  	_ =	shalt  }
0x47: {  	_ =	shalt  }
0x48: {  	_ =	shalt  }
0x49: {  	_ =	shalt  }
0x4a: {  	_ =	shalt  }
0x4b: {  	_ =	shalt  }
0x4c: {  	_ =	shalt  }
0x4d: {  	_ =	shalt  }
0x4e: {  	_ =	shalt  }
0x4f: {  	_ =	shalt  }
0x50: {  	_ =	shalt  }
0x51: {  	_ =	shalt  }
0x52: {  	_ =	shalt  }
0x53: {  	_ =	shalt  }
0x54: {  	_ =	shalt  }
0x55: {  	_ =	shalt  }
0x56: {  	_ =	shalt  }
0x57: {  	_ =	shalt  }
0x58: {  	_ =	shalt  }
0x59: {  	_ =	shalt  }
0x5a: {  	_ =	shalt  }
0x5b: {  	_ =	shalt  }
0x5c: {  	_ =	shalt  }
0x5d: {  	_ =	shalt  }
0x5e: {  	_ =	shalt  }
0x5f: {  	_ =	shalt  }
0x60: {  	_ =	shalt  }
0x61: {  	_ =	shalt  }
0x62: {  	_ =	shalt  }
0x63: {  	_ =	shalt  }
0x64: {  	_ =	shalt  }
0x65: {  	_ =	shalt  }
0x66: {  	_ =	shalt  }
0x67: {  	_ =	shalt  }
0x68: {  	_ =	shalt  }
0x69: {  	_ =	shalt  }
0x6a: {  	_ =	shalt  }
0x6b: {  	_ =	shalt  }
0x6c: {  	_ =	shalt  }
0x6d: {  	_ =	shalt  }
0x6e: {  	_ =	shalt  }
0x6f: {  	_ =	shalt  }
0x70: {  	_ =	shalt  }
0x71: {  	_ =	shalt  }
0x72: {  	_ =	shalt  }
0x73: {  	_ =	shalt  }
0x74: {  	_ =	shalt  }
0x75: {  	_ =	shalt  }
0x76: {  	_ =	shalt  }
0x77: {  	_ =	shalt  }
0x78: {  	_ =	shalt  }
0x79: {  	_ =	shalt  }
0x7a: {  	_ =	shalt  }
0x7b: {  	_ =	shalt  }
0x7c: {  	_ =	shalt  }
0x7d: {  	_ =	shalt  }
0x7e: {  	_ =	shalt  }
0x7f: {  	_ =	shalt  }
0x80: {  	_ =	shalt  }
0x81: {  	_ =	shalt  }
0x82: {  	_ =	shalt  }
0x83: {  	_ =	shalt  }
0x84: {  	_ =	shalt  }
0x85: {  	_ =	shalt  }
0x86: {  	_ =	shalt  }
0x87: {  	_ =	shalt  }
.Lfunc_end0:
.L_simem_size_0:
called_computation_lowered:
.L_overlay_start_0:
0x88: {  	s2 =	sld [smem:$0x3FD9]  }
0x89: {  	s3 =	sld [smem:$0x3FFE];
	_ =	sdelay $0x1  }
0x8a: {  	s1 =	srdreg.scid  }
0x8b: {  	s0 =	sand.u32 $0x1, s1  }
0x8c: {  	s17 =	sshll.u32 s0, $0xA;
	s2 =	sadd.s32 s3, s2  }
0x8d: {  	s2 =	sadd.s32 s2, s17  }
0x8e: {  	[smem:$0x3FC6] =	sst s2  }
0x8f: {  	_ = 	snop  }
0x90: {  	s2 =	sld [smem:$0x3FC9]  }
0x91: {  	s18 =	sld [smem:$0x3FD0];
	(tm) =	ssettm $0x1  }
0x92: {  	s4 =	sld [smem:$0x3FFB];
	_ =	sdelay $0x3  }
0x93: {  	_ =	strace s4  }
0x94: {  	s4 =	sld [smem:$0x3FFC];
	_ =	sdelay $0x3  }
0x95: {  	_ =	strace s4  }
0x96: {  	s4 =	sld [smem:$0x3FFD];
	_ =	sdelay $0x3  }
0x97: {  	_ =	strace s4  }
0x98: {  	_ =	strace $0x8FFFFFFF  }
0x99: {  	s19 =	sld [smem:$0x3FDB];
	_ =	sdelay $0x1  }
0x9a: {  	s5 =	simm.s32 $_scs_section_size  }
0x9b: {  	s6 =	simm.s32 $_size__tile_overlayer_lowered;
	s7 =	simm.s32 $_tile_overlayer_lowered  }
0x9c: {  	s22 =	simm.s32 $0x1BFF;
	s21 =	sshll.u32 s7, $0x1;
	s4 =	sadd.s32 s5, s19  }
0x9d: {  	s8 =	simm.s32 $0x0;
	s20 =	sshll.u32 s6, $0x1;
	s6 =	sadd.s32 s21, s4  }
0x9e: {  	[timem:s8], [sflag:s22] =	dma.local [hbm:s6], s20  }
0x9f: {  	_ =	swait.ge [sflag:s22], s20  }
0xa0: {  	s5 =	ssub.s32 $0x0, s20;
	[sflag:s22] =	ssyncset.done $0x0  }
0xa1: {  	[sflag:s22] =	ssyncadd.s32 s5;
	_ =	sdelay $0x1  }
0xa2: {  	s23 =	simm.s32 $0x1B8B  }
0xa3: {  	_ =	swait.ge [sflag:s23], $0x1  }
0xa4: {  	[sflag:s23] =	ssyncset.done $0x0  }
0xa5: {  	s25 =	simm.s32 $0x1B8E;
	s24 =	sld [smem:$0x3FFE];
	[sflag:s23] =	ssyncadd.s32 $0xFFFFFFFF  }
0xa6: {  	s26 =	simm.s32 $execute0_lowered;
	[smem:$0x3FD2] =	sst s25  }
0xa7: {  	s6 =	sshll.u32 s26, $0x1;
	_ =	strace $0x80000046;
	[dreg:$0x1] =	wrdreg $0xFFFFFFFF  }
0xa8: {  	s28 =	simm.s32 $_size_execute0_lowered;
	s4 =	sadd.s32 s4, s6;
	[dreg:$0x0] =	wrdreg $0x0  }
0xa9: {  	s6 =	sshll.u32 s28, $0x1;
	[dreg:$0x2] =	wrdreg s4  }
0xaa: {  	[dreg:$0x3] =	wrdreg s6  }
0xab: {  	[dreg:$0x4] =	wrdreg $0xC0  }
0xac: {  	_ =	task [dreg:s8], $0x5FFFF  }
0xad: {  	[dreg:$0x1] =	wrdreg $0xFFFFFFFF  }
0xae: {  	[dreg:$0x0] =	wrdreg $0x60  }
0xaf: {  	[dreg:$0x2] =	wrdreg s2  }
0xb0: {  	[dreg:$0x3] =	wrdreg s18  }
0xb1: {  	[dreg:$0x4] =	wrdreg s24  }
0xb2: {  	[dreg:$0x5] =	wrdreg $0x102000  }
0xb3: {  	[dreg:$0x6] =	wrdreg $0x9  }
0xb4: {  	_ =	task.clear_ibuf [dreg:s8], $0x7FFFF;
	_ =	strace $0x90000046  }
0xb5: {  	s29 =	simm.s32 $0x9;
	_ =	strace $0x80000048  }
0xb6: {  	_ =	swait.ge [sflag:s29], $0x1  }
0xb7: {  	[sflag:s29] =	ssyncadd.s32 $0xFFFFFFFF  }
0xb8: {  	_ =	strace $0x90000048  }
0xb9: {  	_ =	sfence  }
0xba: {  	s30 =	sld [smem:$0x0];
	_ =	sdelay $0x2  }
0xbb: {  	s31 =	sshll.u32 s1, $0xD;
	s1 =	sshrl.u32 s1, $0x2  }
0xbc: {  	s3 =	sand.u32 $0x4000, s31;
	s1 =	sadd.s32 s1, s30  }
0xbd: {  	s0 =	sor.u32 s3, s0;
	s1 =	sshll.u32 s1, $0x11  }
0xbe: {  	s0 =	sor.u32 s1, s0  }
0xbf: {  	s0 =	sadd.s32 $0x8F2B, s0  }
0xc0: {  	[sflag:s0] =	ssyncadd.remote.s32 $0x1  }
0xc1: {  	_ =	sfence.sel $0xFFFF  }
0xc2: {  	[dreg:$0x0] =	wrdreg $0xFFFFFFFF;
	(pc) =	sbr.abs _section_cstart, $3  }
0xc3: {  	[dreg:$0x1] =	wrdreg $0xFFFFFFFF  }
0xc4: {  	_ =	task.clear_ibuf [dreg:s8], $0x2FFFF;
	_ =	strace $0x9FFFFFFF  }
0xc5: {  	(tm) =	ssettm $0x7FFFFFFF  }
tec
execute0_lowered:
.L_overlay_start_1:
0x0: {  	(tag) =	ssettag $0x1  }
0x1: {  	s4 =	rddreg [dreg:$0x0]  }
0x2: {  	s5 =	rddreg [dreg:$0x1];
	s1 =	srdreg.scid  }
0x3: {  	s6 =	rddreg [dreg:$0x2];
	s0 =	stileid.u32  }
0x4: {  	s2 =	rddreg [dreg:$0x3];
	s3 =	simm.s32 $0x0;
	s15 =	simm.s32 $0x80  }
0x5: {  	s16 =	simm.s32 $0xC0;
	s17 =	simm.s32 $0x100;
	[smem:$0x7FF] =	sst s3  }
0x6: {  	s18 =	simm.s32 $0x140;
	_ =	strace $0x80000047;
	[dreg:$0x11] =	wrdreg s15  }
0x7: {  	s20 =	simm.s32 $0x180;
	s1 =	sand.u32 $0x1, s1;
	[dreg:$0x12] =	wrdreg s16  }
0x8: {  	s7 =	sshll.u32 s0, $0xA;
	s12 =	sshll.u32 s0, $0x6;
	[dreg:$0x13] =	wrdreg s17  }
0x9: {  	s8 =	sshll.u32 s1, $0x9;
	s23 =	sadd.s32 s5, s7;
	[dreg:$0x14] =	wrdreg s18  }
0xa: {  	s13 =	sor.u32 $0x1C11, s12;
	[dreg:$0x15] =	wrdreg s20;
	s8 =	sor.u32 s8, s7  }
0xb: {  	[dreg:$0x6] =	wrdreg s23;
	s9 =	sshrl.u32 s8, $0x3;
	s8 =	sshll.u32 s8, $0x4  }
0xc: {  	[dreg:$0xf] =	wrdreg s13;
	s4 =	sadd.s32 s4, s9;
	s6 =	sadd.s32 s8, s6  }
0xd: {  	[dreg:$0x5] =	wrdreg s4;
	s24 =	sadd.s32 $0x400, s6  }
0xe: {  	s25 =	sadd.s32 $0x800, s6;
	[dreg:$0x7] =	wrdreg s24  }
0xf: {  	s26 =	sadd.s32 $0xC00, s6;
	[dreg:$0x8] =	wrdreg s25  }
0x10: {  	s5 =	sadd.s32 $0x1000, s6;
	[dreg:$0x9] =	wrdreg s26  }
0x11: {  	s7 =	sadd.s32 $0x1400, s6;
	[dreg:$0xa] =	wrdreg s5  }
0x12: {  	s8 =	sadd.s32 $0x1800, s6;
	[dreg:$0xb] =	wrdreg s7  }
0x13: {  	s10 =	sadd.s32 $0x1C00, s6;
	[dreg:$0xc] =	wrdreg s8  }
0x14: {  	s9 =	sshll.u32 s0, $0xD;
	s11 =	sadd.s32 $0x2000, s6;
	[dreg:$0xd] =	wrdreg s10  }
0x15: {  	s5 =	sadd.s32 s9, s2;
	[dreg:$0xe] =	wrdreg s11  }
0x16: {  	s19 =	rddreg [dreg:$0x5];
	s14 =	sshrl.u32 s5, $0x3  }
0x17: {  	[tilespmem:s3], [sflag:$0x11] =	stream.linear.gather [hbm4b:s19+s3], $0x200, $0x38;
	[tilespmem:$0x12200] =	vst v63  }
0x18: {  	s4 =	simm.s32 $0x11;
	[dreg:$0x10] =	wrdreg s14  }
0x19: {  	_ =	swait.ge [sflag:s4], $0x200  }
0x1a: {  	s21 =	rddreg [dreg:$0x10]  }
0x1b: {  	s22 =	rddreg [dreg:$0x6];
	[sflag:s4] =	ssyncset.done $0x0  }
0x1c: {  	s23 =	rddreg [dreg:$0xf];
	[sflag:s4] =	ssyncadd.s32 $0xFFFFFE00  }
0x1d: {  	[spmem:s21], [sflag:s23] =	dma.local [hbm:s22], $0x400  }
0x1e: {  	_ =	swait.ge [sflag:s4], $0x400  }
0x1f: {  	[sflag:s4] =	ssyncset.done $0x0  }
0x20: {  	[sflag:s4] =	ssyncadd.s32 $0xFFFFFC00  }
0x21: {  	s24 =	simm.s32 $0x200;
	s5 =	simm.s32 $0x40;
	[bflag:$0x0] =	sbarrier.arrive $0xFFFF  }
0x22: {  	[tilespmem:s24], [sflag:$0x1] =	stream.indirect.gather [spmem:s2], $0x80, s3, s5, $0xb8;
	[tilespmem:$0x12200] =	vst v63  }
0x23: {  	s7 =	simm.s32 $0x2200  }
0x24: {  	[tilespmem:s7], [sflag:$0x2] =	stream.indirect.gather [spmem:s2], $0x80, s5, s5, $0xb8;
	[tilespmem:$0x12200] =	vst v63  }
0x25: {  	s8 =	simm.s32 $0x4200;
	s25 =	rddreg [dreg:$0x11]  }
0x26: {  	[tilespmem:s8], [sflag:$0x3] =	stream.indirect.gather [spmem:s2], $0x80, s25, s5, $0xb8;
	[tilespmem:$0x12200] =	vst v63  }
0x27: {  	s9 =	simm.s32 $0x6200;
	s10 =	rddreg [dreg:$0x12]  }
0x28: {  	[tilespmem:s9], [sflag:$0x4] =	stream.indirect.gather [spmem:s2], $0x80, s10, s5, $0xb8;
	[tilespmem:$0x12200] =	vst v63  }
0x29: {  	s11 =	rddreg [dreg:$0x13];
	s10 =	simm.s32 $0x8200  }
0x2a: {  	[tilespmem:s10], [sflag:$0x5] =	stream.indirect.gather [spmem:s2], $0x80, s11, s5, $0xb8;
	[tilespmem:$0x12200] =	vst v63  }
0x2b: {  	s12 =	rddreg [dreg:$0x14];
	s11 =	simm.s32 $0xA200  }
0x2c: {  	[tilespmem:s11], [sflag:$0x6] =	stream.indirect.gather [spmem:s2], $0x80, s12, s5, $0xb8;
	[tilespmem:$0x12200] =	vst v63  }
0x2d: {  	s13 =	rddreg [dreg:$0x15];
	s12 =	simm.s32 $0xC200  }
0x2e: {  	[tilespmem:s12], [sflag:$0x7] =	stream.indirect.gather [spmem:s2], $0x80, s13, s5, $0xb8;
	[tilespmem:$0x12200] =	vst v63  }
0x2f: {  	s15 =	simm.s32 $0x1;
	s26 =	simm.s32 $0x1C0;
	s14 =	simm.s32 $0xE200  }
0x30: {  	[tilespmem:s14], [sflag:$0x8] =	stream.indirect.gather [spmem:s2], $0x80, s26, s5, $0xb8;
	[tilespmem:$0x12200] =	vst v63  }
0x31: {  	_ =	swait.ge [sflag:s15], $0x2000  }
0x32: {  	[sflag:s15] =	ssyncset.done $0x0  }
0x33: {  	s16 =	simm.s32 $0x2;
	s17 =	rddreg [dreg:$0x7];
	[sflag:s15] =	ssyncadd.s32 $0xFFFFE000  }
0x34: {  	[hbm4b:s17+s3] =	stream.linear.scatter [tilespmem:s24], [sflag:$0x9], $0x2000, $0x38;
	[tilespmem:$0x12200] =	vst v63  }
0x35: {  	_ =	swait.ge [sflag:s16], $0x2000  }
0x36: {  	[sflag:s16] =	ssyncset.done $0x0  }
0x37: {  	s17 =	simm.s32 $0x3;
	s18 =	rddreg [dreg:$0x8];
	[sflag:s16] =	ssyncadd.s32 $0xFFFFE000  }
0x38: {  	[hbm4b:s18+s3] =	stream.linear.scatter [tilespmem:s7], [sflag:$0xA], $0x2000, $0x38;
	[tilespmem:$0x12200] =	vst v63  }
0x39: {  	_ =	swait.ge [sflag:s17], $0x2000  }
0x3a: {  	[sflag:s17] =	ssyncset.done $0x0  }
0x3b: {  	s18 =	simm.s32 $0x4;
	s19 =	rddreg [dreg:$0x9];
	[sflag:s17] =	ssyncadd.s32 $0xFFFFE000  }
0x3c: {  	[hbm4b:s19+s3] =	stream.linear.scatter [tilespmem:s8], [sflag:$0xB], $0x2000, $0x38;
	[tilespmem:$0x12200] =	vst v63  }
0x3d: {  	_ =	swait.ge [sflag:s18], $0x2000  }
0x3e: {  	[sflag:s18] =	ssyncset.done $0x0  }
0x3f: {  	s19 =	simm.s32 $0x5;
	s20 =	rddreg [dreg:$0xa];
	[sflag:s18] =	ssyncadd.s32 $0xFFFFE000  }
0x40: {  	[hbm4b:s20+s3] =	stream.linear.scatter [tilespmem:s9], [sflag:$0xC], $0x2000, $0x38;
	[tilespmem:$0x12200] =	vst v63  }
0x41: {  	_ =	swait.ge [sflag:s19], $0x2000  }
0x42: {  	[sflag:s19] =	ssyncset.done $0x0  }
0x43: {  	s20 =	simm.s32 $0x6;
	s21 =	rddreg [dreg:$0xb];
	[sflag:s19] =	ssyncadd.s32 $0xFFFFE000  }
0x44: {  	[hbm4b:s21+s3] =	stream.linear.scatter [tilespmem:s10], [sflag:$0xD], $0x2000, $0x38;
	[tilespmem:$0x12200] =	vst v63  }
0x45: {  	_ =	swait.ge [sflag:s20], $0x2000  }
0x46: {  	[sflag:s20] =	ssyncset.done $0x0  }
0x47: {  	s21 =	simm.s32 $0x7;
	s22 =	rddreg [dreg:$0xc];
	[sflag:s20] =	ssyncadd.s32 $0xFFFFE000  }
0x48: {  	[hbm4b:s22+s3] =	stream.linear.scatter [tilespmem:s11], [sflag:$0xE], $0x2000, $0x38;
	[tilespmem:$0x12200] =	vst v63  }
0x49: {  	_ =	swait.ge [sflag:s21], $0x2000  }
0x4a: {  	[sflag:s21] =	ssyncset.done $0x0  }
0x4b: {  	s22 =	simm.s32 $0x8;
	s23 =	rddreg [dreg:$0xd];
	[sflag:s21] =	ssyncadd.s32 $0xFFFFE000  }
0x4c: {  	[hbm4b:s23+s3] =	stream.linear.scatter [tilespmem:s12], [sflag:$0xF], $0x2000, $0x38;
	[tilespmem:$0x12200] =	vst v63  }
0x4d: {  	_ =	swait.ge [sflag:s22], $0x2000  }
0x4e: {  	[sflag:s22] =	ssyncset.done $0x0  }
0x4f: {  	s23 =	simm.s32 $0x9;
	s24 =	rddreg [dreg:$0xe];
	[sflag:s22] =	ssyncadd.s32 $0xFFFFE000  }
0x50: {  	[hbm4b:s24+s3] =	stream.linear.scatter [tilespmem:s14], [sflag:$0x10], $0x2000, $0x38;
	[tilespmem:$0x12200] =	vst v63  }
0x51: {  	_ =	swait.ge [sflag:s23], $0x2000  }
0x52: {  	[sflag:s23] =	ssyncset.done $0x0  }
0x53: {  	s24 =	simm.s32 $0xA;
	[sflag:s23] =	ssyncadd.s32 $0xFFFFE000  }
0x54: {  	_ =	swait.ge [sflag:s24], $0x2000  }
0x55: {  	[sflag:s24] =	ssyncset.done $0x0  }
0x56: {  	s25 =	simm.s32 $0xB;
	[sflag:s24] =	ssyncadd.s32 $0xFFFFE000  }
0x57: {  	_ =	swait.ge [sflag:s25], $0x2000  }
0x58: {  	[sflag:s25] =	ssyncset.done $0x0  }
0x59: {  	s26 =	simm.s32 $0xC;
	[sflag:s25] =	ssyncadd.s32 $0xFFFFE000  }
0x5a: {  	_ =	swait.ge [sflag:s26], $0x2000  }
0x5b: {  	s1 =	ssub.s32 $0x2, s1;
	[sflag:s26] =	ssyncset.done $0x0  }
0x5c: {  	s28 =	simm.s32 $0xD;
	s30 =	sshrl.u32 s1, $0x1;
	[sflag:s26] =	ssyncadd.s32 $0xFFFFE000  }
0x5d: {  	s1 =	ssub.s32 s1, s30;
	_ =	swait.ge [sflag:s28], $0x2000  }
0x5e: {  	s1 =	smax.u32 s1, $0x1;
	[sflag:s28] =	ssyncset.done $0x0  }
0x5f: {  	s29 =	simm.s32 $0xE;
	p0 =	sne.s32 s1, $0x1;
	[sflag:s28] =	ssyncadd.s32 $0xFFFFE000  }
.Ltmp0:
0x60: {  	_ =	swait.ge [sflag:s29], $0x2000;
	(pc) =	sbr.rel @!p0 .LBB2_2-.Ltmp0, $4  }
0x61: {  	[sflag:s29] =	ssyncset.done $0x0  }
0x62: {  	s30 =	simm.s32 $0xF;
	[sflag:s29] =	ssyncadd.s32 $0xFFFFE000  }
0x63: {  	_ =	swait.ge [sflag:s30], $0x2000  }
0x64: {  	s31 =	simm.s32 $0x10;
	s1 =	sadd.s32 $0xFFFFFFFF, s1;
	[sflag:s30] =	ssyncset.done $0x0  }
.LBB2_1:
0x65: {  	[sflag:s30] =	ssyncadd.s32 $0xFFFFE000  }
0x66: {  	_ =	swait.ge [sflag:s31], $0x2000  }
0x67: {  	[sflag:s31] =	ssyncset.done $0x0  }
0x68: {  	s0 =	rddreg [dreg:$0x5];
	[sflag:s31] =	ssyncadd.s32 $0xFFFFE000  }
0x69: {  	[tilespmem:s3], [sflag:$0x11] =	stream.linear.gather [hbm4b:s0+s3], $0x200, $0x38;
	[tilespmem:$0x12200] =	vst v63  }
0x6a: {  	_ =	swait.ge [sflag:s4], $0x200  }
0x6b: {  	s0 =	rddreg [dreg:$0x10]  }
0x6c: {  	[sflag:s4] =	ssyncset.done $0x0;
	s13 =	rddreg [dreg:$0x6]  }
0x6d: {  	s6 =	rddreg [dreg:$0xf];
	[sflag:s4] =	ssyncadd.s32 $0xFFFFFE00  }
0x6e: {  	[spmem:s0], [sflag:s6] =	dma.local [hbm:s13], $0x400  }
0x6f: {  	_ =	swait.ge [sflag:s4], $0x400  }
0x70: {  	[sflag:s4] =	ssyncset.done $0x0  }
0x71: {  	[sflag:s4] =	ssyncadd.s32 $0xFFFFFC00  }
0x72: {  	s13 =	simm.s32 $0x200;
	[bflag:$0x0] =	sbarrier.arrive $0xFFFF  }
0x73: {  	[tilespmem:s13], [sflag:$0x1] =	stream.indirect.gather [spmem:s2], $0x80, s3, s5, $0xb8;
	[tilespmem:$0x12200] =	vst v63  }
0x74: {  	_ = 	snop  }
0x75: {  	[tilespmem:s7], [sflag:$0x2] =	stream.indirect.gather [spmem:s2], $0x80, s5, s5, $0xb8;
	[tilespmem:$0x12200] =	vst v63  }
0x76: {  	s0 =	rddreg [dreg:$0x11]  }
0x77: {  	[tilespmem:s8], [sflag:$0x3] =	stream.indirect.gather [spmem:s2], $0x80, s0, s5, $0xb8;
	[tilespmem:$0x12200] =	vst v63  }
0x78: {  	s6 =	rddreg [dreg:$0x12]  }
0x79: {  	[tilespmem:s9], [sflag:$0x4] =	stream.indirect.gather [spmem:s2], $0x80, s6, s5, $0xb8;
	[tilespmem:$0x12200] =	vst v63  }
0x7a: {  	s0 =	rddreg [dreg:$0x13]  }
0x7b: {  	[tilespmem:s10], [sflag:$0x5] =	stream.indirect.gather [spmem:s2], $0x80, s0, s5, $0xb8;
	[tilespmem:$0x12200] =	vst v63  }
0x7c: {  	s6 =	rddreg [dreg:$0x14]  }
0x7d: {  	[tilespmem:s11], [sflag:$0x6] =	stream.indirect.gather [spmem:s2], $0x80, s6, s5, $0xb8;
	[tilespmem:$0x12200] =	vst v63  }
0x7e: {  	s0 =	rddreg [dreg:$0x15]  }
0x7f: {  	[tilespmem:s12], [sflag:$0x7] =	stream.indirect.gather [spmem:s2], $0x80, s0, s5, $0xb8;
	[tilespmem:$0x12200] =	vst v63  }
0x80: {  	s6 =	simm.s32 $0x1C0  }
0x81: {  	[tilespmem:s14], [sflag:$0x8] =	stream.indirect.gather [spmem:s2], $0x80, s6, s5, $0xb8;
	[tilespmem:$0x12200] =	vst v63  }
0x82: {  	_ =	swait.ge [sflag:s15], $0x2000  }
0x83: {  	[sflag:s15] =	ssyncset.done $0x0  }
0x84: {  	s6 =	rddreg [dreg:$0x7];
	[sflag:s15] =	ssyncadd.s32 $0xFFFFE000  }
0x85: {  	[hbm4b:s6+s3] =	stream.linear.scatter [tilespmem:s13], [sflag:$0x9], $0x2000, $0x38;
	[tilespmem:$0x12200] =	vst v63  }
0x86: {  	_ =	swait.ge [sflag:s16], $0x2000  }
0x87: {  	[sflag:s16] =	ssyncset.done $0x0  }
0x88: {  	s13 =	rddreg [dreg:$0x8];
	[sflag:s16] =	ssyncadd.s32 $0xFFFFE000  }
0x89: {  	[hbm4b:s13+s3] =	stream.linear.scatter [tilespmem:s7], [sflag:$0xA], $0x2000, $0x38;
	[tilespmem:$0x12200] =	vst v63  }
0x8a: {  	_ =	swait.ge [sflag:s17], $0x2000  }
0x8b: {  	[sflag:s17] =	ssyncset.done $0x0  }
0x8c: {  	s6 =	rddreg [dreg:$0x9];
	[sflag:s17] =	ssyncadd.s32 $0xFFFFE000  }
0x8d: {  	[hbm4b:s6+s3] =	stream.linear.scatter [tilespmem:s8], [sflag:$0xB], $0x2000, $0x38;
	[tilespmem:$0x12200] =	vst v63  }
0x8e: {  	_ =	swait.ge [sflag:s18], $0x2000  }
0x8f: {  	[sflag:s18] =	ssyncset.done $0x0  }
0x90: {  	s13 =	rddreg [dreg:$0xa];
	[sflag:s18] =	ssyncadd.s32 $0xFFFFE000  }
0x91: {  	[hbm4b:s13+s3] =	stream.linear.scatter [tilespmem:s9], [sflag:$0xC], $0x2000, $0x38;
	[tilespmem:$0x12200] =	vst v63  }
0x92: {  	_ =	swait.ge [sflag:s19], $0x2000  }
0x93: {  	[sflag:s19] =	ssyncset.done $0x0  }
0x94: {  	s6 =	rddreg [dreg:$0xb];
	[sflag:s19] =	ssyncadd.s32 $0xFFFFE000  }
0x95: {  	[hbm4b:s6+s3] =	stream.linear.scatter [tilespmem:s10], [sflag:$0xD], $0x2000, $0x38;
	[tilespmem:$0x12200] =	vst v63  }
0x96: {  	_ =	swait.ge [sflag:s20], $0x2000  }
0x97: {  	[sflag:s20] =	ssyncset.done $0x0  }
0x98: {  	s13 =	rddreg [dreg:$0xc];
	[sflag:s20] =	ssyncadd.s32 $0xFFFFE000  }
0x99: {  	[hbm4b:s13+s3] =	stream.linear.scatter [tilespmem:s11], [sflag:$0xE], $0x2000, $0x38;
	[tilespmem:$0x12200] =	vst v63  }
0x9a: {  	_ =	swait.ge [sflag:s21], $0x2000  }
0x9b: {  	[sflag:s21] =	ssyncset.done $0x0  }
0x9c: {  	s6 =	rddreg [dreg:$0xd];
	[sflag:s21] =	ssyncadd.s32 $0xFFFFE000  }
0x9d: {  	[hbm4b:s6+s3] =	stream.linear.scatter [tilespmem:s12], [sflag:$0xF], $0x2000, $0x38;
	[tilespmem:$0x12200] =	vst v63  }
0x9e: {  	_ =	swait.ge [sflag:s22], $0x2000  }
0x9f: {  	[sflag:s22] =	ssyncset.done $0x0  }
0xa0: {  	s13 =	rddreg [dreg:$0xe];
	[sflag:s22] =	ssyncadd.s32 $0xFFFFE000  }
0xa1: {  	[hbm4b:s13+s3] =	stream.linear.scatter [tilespmem:s14], [sflag:$0x10], $0x2000, $0x38;
	[tilespmem:$0x12200] =	vst v63  }
0xa2: {  	_ =	swait.ge [sflag:s23], $0x2000  }
0xa3: {  	[sflag:s23] =	ssyncset.done $0x0  }
0xa4: {  	[sflag:s23] =	ssyncadd.s32 $0xFFFFE000  }
0xa5: {  	_ =	swait.ge [sflag:s24], $0x2000  }
0xa6: {  	[sflag:s24] =	ssyncset.done $0x0  }
0xa7: {  	[sflag:s24] =	ssyncadd.s32 $0xFFFFE000  }
0xa8: {  	_ =	swait.ge [sflag:s25], $0x2000  }
0xa9: {  	[sflag:s25] =	ssyncset.done $0x0  }
0xaa: {  	[sflag:s25] =	ssyncadd.s32 $0xFFFFE000  }
0xab: {  	_ =	swait.ge [sflag:s26], $0x2000  }
0xac: {  	[sflag:s26] =	ssyncset.done $0x0  }
0xad: {  	[sflag:s26] =	ssyncadd.s32 $0xFFFFE000  }
0xae: {  	_ =	swait.ge [sflag:s28], $0x2000  }
0xaf: {  	[sflag:s28] =	ssyncset.done $0x0  }
0xb0: {  	p0 =	sne.s32 s1, $0x1;
	[sflag:s28] =	ssyncadd.s32 $0xFFFFE000  }
.Ltmp1:
0xb1: {  	_ =	swait.ge [sflag:s29], $0x2000;
	(pc) =	sbr.rel @p0 .LBB2_1-.Ltmp1, $4  }
0xb2: {  	[sflag:s29] =	ssyncset.done $0x0  }
0xb3: {  	[sflag:s29] =	ssyncadd.s32 $0xFFFFE000  }
0xb4: {  	_ =	swait.ge [sflag:s30], $0x2000  }
0xb5: {  	s1 =	sadd.s32 $0xFFFFFFFF, s1;
	[sflag:s30] =	ssyncset.done $0x0  }
.LBB2_2:
0xb6: {  	[sflag:s30] =	ssyncadd.s32 $0xFFFFE000  }
0xb7: {  	_ =	swait.ge [sflag:s31], $0x2000  }
0xb8: {  	[sflag:s31] =	ssyncset.done $0x0  }
0xb9: {  	[sflag:s31] =	ssyncadd.s32 $0xFFFFE000  }
0xba: {  	_ =	sfence.sel $0x180000  }
0xbb: {  	[bflag:$0x0] =	sbarrier.arrive $0xFFFF  }
0xbc: {  	_ =	strace $0x90000047  }
0xbd: {  	s0 =	stileid.u32;
	[bflag:$0x2] =	sbarrier.arrive $0xFFFF  }
0xbe: {  	p0 =	sne.s32 s0, $0x0;
	s0 =	rddreg [dreg:$0x4]  }
0xbf: {  	s0 =	sadd.s32 @!p0 $0x100000, s0  }
0xc0: {  	[sflag:s0] =	ssyncadd.tile.s32 @!p0 $0x1;
	_ =	shalt  }
.Lfunc_end2:
_tile_overlayer_lowered:
.L_overlay_start_2:
0xc1: {  	(tag) =	ssettag $0x2  }
0xc2: {  	s0 =	rddreg [dreg:$0x0];
	s2 =	stileid.u32  }
0xc3: {  	s1 =	rddreg [dreg:$0x1];
	p0 =	sne.s32 s2, $0x0  }
0xc4: {  	s3 =	rddreg [dreg:$0x2];
	[bflag:$0x3] =	sbarrier.arrive $0xFFFF;
	s2 =	simm.s32 @!p0 $0x1C11  }
0xc5: {  	[timem:s3], [sflag:s2] =	dma.local @!p0 [hbm:s0], s1  }
0xc6: {  	s0 =	simm.s32 @!p0 $0x11  }
0xc7: {  	_ =	swait.ge @!p0 [sflag:s0], s1  }
0xc8: {  	s1 =	ssub.s32 @!p0 $0x0, s1;
	[sflag:s0] =	ssyncset.done @!p0 $0x0  }
0xc9: {  	[sflag:s0] =	ssyncadd.s32 @!p0 s1  }
0xca: {  	[bflag:$0x3] =	sbarrier.arrive $0xFFFF  }
0xcb: {  	_ =	shalt  }

</sc_bundles>
